<compile_context>
chip_gen: v7x
topology: tpu7x:2x2x1
jax: 0.10.2.dev20260603
libtpu: 0.0.44.dev20260713+nightly
codegen_flags: <defaults>
</compile_context>

<pallas_src>
import functools

import jax
import jax.numpy as jnp
from jax import lax
from jax.experimental import pallas as pl
from jax.experimental.pallas import tpu as pltpu
from jax.experimental.pallas import tpu_sc as plsc

N = 10000
E = 160000
F_IN = 256
H = 16
C = 16

NC = 2
NS = 16
NW = NC * NS
CH = 128
CPW0 = 24
CPW1 = 56
N_CHUNKS = NS * (CPW0 + CPW1)
E_PAD = N_CHUNKS * CH
N_PAD = 10112
W1_T = 48
W2_T = 32


def _prologue1_body(x_ref, w_ref, b_ref, a_ref, ab_ref, out_ref):
    xn = jnp.dot(x_ref[...], w_ref[...], preferred_element_type=jnp.float32)
    xn = xn + b_ref[...]
    ar = jnp.dot(xn, a_ref[0:H, :], preferred_element_type=jnp.float32)
    u = (ar + ab_ref[...]) * xn
    out_ref[...] = jnp.concatenate([u, xn, jnp.ones_like(xn)], axis=1)


def _mid_body(acc_ref, t1_ref, a1_ref, ab1_ref, w2_ref, b2_ref, a2_ref,
              ab2_ref, t2_ref, cnt_ref):
    S = (acc_ref[0] + acc_ref[1])[0:N, :]
    S1 = S[:, 0:H]
    S2 = S[:, H:2 * H]
    deg = S[:, 2 * H:3 * H]
    xn1 = t1_ref[:, H:2 * H]
    ar1 = jnp.dot(xn1, a1_ref[0:H, :], preferred_element_type=jnp.float32)
    ac1 = jnp.dot(xn1, a1_ref[H:2 * H, :], preferred_element_type=jnp.float32)
    self1 = (ar1 + ac1 + ab1_ref[...]) * xn1
    cnt = deg + 1.0
    h = jnp.maximum((S1 + ac1 * S2 + self1) / cnt, 0.0)
    xn2 = jnp.dot(h, w2_ref[...], preferred_element_type=jnp.float32)
    xn2 = xn2 + b2_ref[...]
    ar2 = jnp.dot(xn2, a2_ref[0:C, :], preferred_element_type=jnp.float32)
    u2 = (ar2 + ab2_ref[...]) * xn2
    t2_ref[...] = jnp.concatenate([u2, xn2], axis=1)
    cnt_ref[...] = cnt


def _final_body(acc_ref, t2_ref, cnt_ref, a2_ref, ab2_ref, out_ref):
    S = (acc_ref[0] + acc_ref[1])[0:N, :]
    S1 = S[:, 0:C]
    S2 = S[:, C:2 * C]
    xn2 = t2_ref[:, C:2 * C]
    ar2 = jnp.dot(xn2, a2_ref[0:C, :], preferred_element_type=jnp.float32)
    ac2 = jnp.dot(xn2, a2_ref[C:2 * C, :], preferred_element_type=jnp.float32)
    self2 = (ar2 + ac2 + ab2_ref[...]) * xn2
    o = (S1 + ac2 * S2 + self2) / cnt_ref[...]
    m = jnp.max(o, axis=1, keepdims=True)
    om = o - m
    lse = jnp.log(jnp.sum(jnp.exp(om), axis=1, keepdims=True))
    out_ref[...] = om - lse


def _make_sc_pass(width):
    mesh = plsc.VectorSubcoreMesh(core_axis_name="c", subcore_axis_name="s",
                                  num_cores=NC, num_subcores=NS)
    rpt = N_PAD // NS

    @functools.partial(
        pl.kernel,
        out_type=jax.ShapeDtypeStruct((NC, N_PAD, width), jnp.float32),
        mesh=mesh,
        compiler_params=pltpu.CompilerParams(use_tc_tiling_on_sc=False),
        scratch_types=[
            pltpu.VMEM((CPW1, CH), jnp.int32),
            pltpu.VMEM((CPW1, CH), jnp.int32),
            pltpu.VMEM((CH, width), jnp.float32),
            pltpu.VMEM((CH, width), jnp.float32),
            pltpu.VMEM_SHARED((N_PAD, width), jnp.float32),
            pltpu.VMEM_SHARED((N, width), jnp.float32),
            pltpu.SemaphoreType.DMA,
            pltpu.SemaphoreType.DMA,
        ],
    )
    def sc_pass(table, rowi, coli, zeros, out, idxr, idxc, rows0, rows1,
                acc, tbl_s, sem0, sem1):
        c = lax.axis_index("c")
        s = lax.axis_index("s")
        nch = jnp.where(c == 0, CPW0, CPW1)
        base = jnp.where(c == 0, s * CPW0, NS * CPW0 + s * CPW1)
        pltpu.sync_copy(zeros.at[pl.ds(s * rpt, rpt)],
                        acc.at[pl.ds(s * rpt, rpt)])
        tpt = N // NS
        pltpu.sync_copy(table.at[pl.ds(s * tpt, tpt)],
                        tbl_s.at[pl.ds(s * tpt, tpt)])
        pltpu.sync_copy(rowi.at[pl.ds(base, CPW0)], idxr.at[pl.ds(0, CPW0)])

        @pl.when(c == 1)
        def _():
            pltpu.sync_copy(rowi.at[pl.ds(base + CPW0, CPW1 - CPW0)],
                            idxr.at[pl.ds(CPW0, CPW1 - CPW0)])
        pltpu.sync_copy(coli.at[pl.ds(base, CPW0)], idxc.at[pl.ds(0, CPW0)])

        @pl.when(c == 1)
        def _():
            pltpu.sync_copy(coli.at[pl.ds(base + CPW0, CPW1 - CPW0)],
                            idxc.at[pl.ds(CPW0, CPW1 - CPW0)])
        plsc.subcore_barrier()

        pltpu.async_copy(tbl_s.at[idxr.at[0]], rows0, sem0)

        def body(k, carry):
            j0 = 2 * k
            pltpu.async_copy(tbl_s.at[idxr.at[j0 + 1]], rows1, sem1)
            pltpu.make_async_copy(tbl_s.at[idxr.at[j0]], rows0, sem0).wait()
            pltpu.sync_copy(rows0, acc.at[idxc.at[j0]], add=True)

            @pl.when(j0 + 2 < nch)
            def _():
                pltpu.async_copy(tbl_s.at[idxr.at[j0 + 2]], rows0, sem0)

            pltpu.make_async_copy(
                tbl_s.at[idxr.at[j0 + 1]], rows1, sem1).wait()
            pltpu.sync_copy(rows1, acc.at[idxc.at[j0 + 1]], add=True)
            return carry

        lax.fori_loop(0, nch // 2, body, 0)
        plsc.subcore_barrier()
        pltpu.sync_copy(acc.at[pl.ds(s * rpt, rpt)],
                        out.at[c, pl.ds(s * rpt, rpt)])

    return sc_pass


_make_sc_pass = functools.lru_cache(maxsize=None)(_make_sc_pass)


@jax.jit
def kernel(x, edge_index, W1, b1, A1, Ab1, W2, b2, A2, Ab2):
    f32 = jnp.float32
    rowi = jnp.concatenate(
        [edge_index[0], jnp.zeros((E_PAD - E,), jnp.int32)]
    ).reshape(N_CHUNKS, CH)
    coli = jnp.concatenate(
        [edge_index[1], jnp.full((E_PAD - E,), N, jnp.int32)]
    ).reshape(N_CHUNKS, CH)

    table1 = pl.pallas_call(
        _prologue1_body,
        out_shape=jax.ShapeDtypeStruct((N, W1_T), f32),
    )(x, W1, b1.reshape(1, H), A1, Ab1.reshape(1, 1))

    zeros1 = jnp.zeros((N_PAD, W1_T), f32)
    acc1 = _make_sc_pass(W1_T)(table1, rowi, coli, zeros1)

    table2, cnt = pl.pallas_call(
        _mid_body,
        out_shape=(
            jax.ShapeDtypeStruct((N, W2_T), f32),
            jax.ShapeDtypeStruct((N, C), f32),
        ),
    )(acc1, table1, A1, Ab1.reshape(1, 1), W2, b2.reshape(1, C), A2,
      Ab2.reshape(1, 1))

    zeros2 = jnp.zeros((N_PAD, W2_T), f32)
    acc2 = _make_sc_pass(W2_T)(table2, rowi, coli, zeros2)

    out = pl.pallas_call(
        _final_body,
        out_shape=jax.ShapeDtypeStruct((N, C), f32),
    )(acc2, table2, cnt, A2, Ab2.reshape(1, 1))
    return out

# --- scband reference (transcript-rebuilt; emitter-appended) ---
"""Pipeline reference for scband-net-65498251264000 (READ-ONLY COPY).

The authoritative reference and input builder live on the scoring server;
editing this copy changes nothing except your own understanding.
"""

import jax, jax.numpy as jnp
import numpy as np

N = 10000
E = 160000
F_IN = 256
HID = 16
NUM_CLASSES = 16


def setup_inputs(seed: int = 0) -> dict:
    key = jax.random.key(seed)
    ks = jax.random.split(key, 10)
    x = jax.random.normal(ks[0], (N, F_IN), dtype=jnp.float32)
    edge_index = jax.random.randint(ks[1], (2, E), 0, N, dtype=jnp.int32)
    W1 = jax.random.normal(ks[2], (F_IN, HID), dtype=jnp.float32) * 0.05
    b1 = jnp.zeros((HID,), dtype=jnp.float32)
    A1 = jax.random.normal(ks[3], (2 * HID, 1), dtype=jnp.float32) * 0.05
    Ab1 = jnp.zeros((1,), dtype=jnp.float32)
    W2 = jax.random.normal(ks[4], (HID, NUM_CLASSES), dtype=jnp.float32) * 0.05
    b2 = jnp.zeros((NUM_CLASSES,), dtype=jnp.float32)
    A2 = jax.random.normal(ks[5], (2 * NUM_CLASSES, 1), dtype=jnp.float32) * 0.05
    Ab2 = jnp.zeros((1,), dtype=jnp.float32)
    return {"x": x, "edge_index": edge_index, "W1": W1, "b1": b1, "A1": A1, "Ab1": Ab1, "W2": W2, "b2": b2, "A2": A2, "Ab2": Ab2}


def _graph_attention(x, edge_index, W, b, Aw, Ab):
    n = x.shape[0]
    # add_self_loops
    loops = jnp.arange(n, dtype=edge_index.dtype)
    ei = jnp.concatenate([edge_index, jnp.stack([loops, loops], axis=0)], axis=1)
    x_new = x @ W + b
    row, col = ei[0], ei[1]
    # degree-based norm (computed in the original forward; unused downstream)
    deg = jax.ops.segment_sum(jnp.ones((ei.shape[1],), dtype=x.dtype), col, num_segments=n)
    deg_inv_sqrt = jnp.where(deg > 0, jnp.power(jnp.maximum(deg, 1e-12), -0.5), 0.0)
    _norm_unused = deg_inv_sqrt[row] * deg_inv_sqrt[col]
    # attention coefficient per edge
    attn_input = jnp.concatenate([x_new[row], x_new[col]], axis=1)
    attn_output = attn_input @ Aw + Ab  # [E+n, 1]
    # message = attn * x_j ; aggr='mean' over destination (col)
    msg = attn_output * x_new[row]
    summed = jax.ops.segment_sum(msg, col, num_segments=n)
    count = jnp.maximum(deg, 1.0)
    return summed / count[:, None]


def reference(x, edge_index, W1, b1, A1, Ab1, W2, b2, A2, Ab2):
    h = _graph_attention(x, edge_index, W1, b1, A1, Ab1)
    h = jax.nn.relu(h)
    # F.dropout in eval mode is identity (deterministic reference)
    out = _graph_attention(h, edge_index, W2, b2, A2, Ab2)
    return jax.nn.log_softmax(out, axis=1)

if __name__ == "__main__":
    import jax
    _d = setup_inputs()
    print(jax.jit(kernel)(*tuple(_d.values())))

</pallas_src>

<mosaic_0001>
#map = affine_map<(d0, d1) -> (0, 0)>
#map1 = affine_map<(d0, d1) -> (0, 0, 0)>
module attributes {stable_mosaic.version = 14 : i64} {
  func.func @sc_pass(%arg0: i32, %arg1: i32, %arg2: memref<10000x48xf32, #tpu.memory_space<hbm>>, %arg3: memref<1280x128xi32, #tpu.memory_space<hbm>>, %arg4: memref<1280x128xi32, #tpu.memory_space<hbm>>, %arg5: memref<10112x48xf32, #tpu.memory_space<hbm>>, %arg6: memref<2x10112x48xf32, #tpu.memory_space<hbm>>, %arg7: memref<56x128xi32, #tpu.memory_space<vmem>>, %arg8: memref<56x128xi32, #tpu.memory_space<vmem>>, %arg9: memref<128x48xf32, #tpu.memory_space<vmem>>, %arg10: memref<128x48xf32, #tpu.memory_space<vmem>>, %arg11: memref<10112x48xf32, #tpu.memory_space<vmem_shared>>, %arg12: memref<10000x48xf32, #tpu.memory_space<vmem_shared>>, %arg13: memref<!tpu.dma_semaphore, #tpu.memory_space<semaphore_mem>>, %arg14: memref<!tpu.dma_semaphore, #tpu.memory_space<semaphore_mem>>) attributes {dimension_semantics = [#tpu.dimension_semantics<core_parallel>, #tpu.dimension_semantics<subcore_parallel>], iteration_bounds = array<i64: 2, 16>, scalar_prefetch = 0 : i64, scratch_operands = 8 : i64, tpu.core_type = #tpu.core_type<sc_vector_subcore>, window_params = [{transform_indices = #map}, {transform_indices = #map}, {transform_indices = #map}, {transform_indices = #map}, {transform_indices = #map1}]} {
    %eq3A = arith.constant 0 : i32
    %eq3A_0 = arith.cmpi eq, %arg0, %eq3A : i32
    %jit3A = arith.constant 24 : i32
    %jit3A_1 = arith.constant 56 : i32
    %select_n3A = arith.select %eq3A_0, %jit3A, %jit3A_1 : i32
    %eq3A_2 = arith.constant 0 : i32
    %eq3A_3 = arith.cmpi eq, %arg0, %eq3A_2 : i32
    %mul3A = arith.constant 24 : i32
    %mul3A_4 = arith.muli %arg1, %mul3A : i32
    %mul3A_5 = arith.constant 56 : i32
    %mul3A_6 = arith.muli %arg1, %mul3A_5 : i32
    %add3A = arith.constant 384 : i32
    %add3A_7 = arith.addi %add3A, %mul3A_6 : i32
    %select_n3A_8 = arith.select %eq3A_3, %mul3A_4, %add3A_7 : i32
    %mul3A_9 = arith.constant 632 : i32
    %mul3A_10 = arith.muli %arg1, %mul3A_9 : i32
    %mul3A_11 = arith.constant 632 : i32
    %mul3A_12 = arith.muli %arg1, %mul3A_11 : i32
    "tpu.region"() ({
      %run_scoped3A = tpu.sem_alloc : memref<!tpu.dma_semaphore, #tpu.memory_space<semaphore_mem>>
      %dma_start3A_63 = arith.constant 0 : i32
      %dma_start3A_64 = tpu.memref_slice %arg11[%mul3A_12, %dma_start3A_63] : memref<10112x48xf32, #tpu.memory_space<vmem_shared>> -> memref<632x48xf32, #tpu.memory_space<vmem_shared>>
      %dma_start3A_65 = arith.constant 0 : i32
      %dma_start3A_66 = tpu.memref_slice %arg5[%mul3A_10, %dma_start3A_65] : memref<10112x48xf32, #tpu.memory_space<hbm>> -> memref<632x48xf32, #tpu.memory_space<hbm>>
      tpu.enqueue_dma source(%dma_start3A_66 : memref<632x48xf32, #tpu.memory_space<hbm>>) target(%dma_start3A_64 : memref<632x48xf32, #tpu.memory_space<vmem_shared>>) target_semaphore(%run_scoped3A : memref<!tpu.dma_semaphore, #tpu.memory_space<semaphore_mem>>)
      %dma_wait3A = arith.constant 0 : i32
      %dma_wait3A_67 = tpu.memref_slice %arg11[%mul3A_12, %dma_wait3A] : memref<10112x48xf32, #tpu.memory_space<vmem_shared>> -> memref<632x48xf32, #tpu.memory_space<vmem_shared>>
      %dma_wait3A_68 = arith.constant 0 : i32
      %dma_wait3A_69 = tpu.memref_slice %arg5[%mul3A_10, %dma_wait3A_68] : memref<10112x48xf32, #tpu.memory_space<hbm>> -> memref<632x48xf32, #tpu.memory_space<hbm>>
      tpu.wait_dma2 semaphore(%run_scoped3A : memref<!tpu.dma_semaphore, #tpu.memory_space<semaphore_mem>>) src(%dma_wait3A_69 : memref<632x48xf32, #tpu.memory_space<hbm>>) dst(%dma_wait3A_67 : memref<632x48xf32, #tpu.memory_space<vmem_shared>>)
      tpu.yield
    }) : () -> ()
    %mul3A_13 = arith.constant 625 : i32
    %mul3A_14 = arith.muli %arg1, %mul3A_13 : i32
    %mul3A_15 = arith.constant 625 : i32
    %mul3A_16 = arith.muli %arg1, %mul3A_15 : i32
    "tpu.region"() ({
      %run_scoped3A = tpu.sem_alloc : memref<!tpu.dma_semaphore, #tpu.memory_space<semaphore_mem>>
      %dma_start3A_63 = arith.constant 0 : i32
      %dma_start3A_64 = tpu.memref_slice %arg12[%mul3A_16, %dma_start3A_63] : memref<10000x48xf32, #tpu.memory_space<vmem_shared>> -> memref<625x48xf32, #tpu.memory_space<vmem_shared>>
      %dma_start3A_65 = arith.constant 0 : i32
      %dma_start3A_66 = tpu.memref_slice %arg2[%mul3A_14, %dma_start3A_65] : memref<10000x48xf32, #tpu.memory_space<hbm>> -> memref<625x48xf32, #tpu.memory_space<hbm>>
      tpu.enqueue_dma source(%dma_start3A_66 : memref<625x48xf32, #tpu.memory_space<hbm>>) target(%dma_start3A_64 : memref<625x48xf32, #tpu.memory_space<vmem_shared>>) target_semaphore(%run_scoped3A : memref<!tpu.dma_semaphore, #tpu.memory_space<semaphore_mem>>)
      %dma_wait3A = arith.constant 0 : i32
      %dma_wait3A_67 = tpu.memref_slice %arg12[%mul3A_16, %dma_wait3A] : memref<10000x48xf32, #tpu.memory_space<vmem_shared>> -> memref<625x48xf32, #tpu.memory_space<vmem_shared>>
      %dma_wait3A_68 = arith.constant 0 : i32
      %dma_wait3A_69 = tpu.memref_slice %arg2[%mul3A_14, %dma_wait3A_68] : memref<10000x48xf32, #tpu.memory_space<hbm>> -> memref<625x48xf32, #tpu.memory_space<hbm>>
      tpu.wait_dma2 semaphore(%run_scoped3A : memref<!tpu.dma_semaphore, #tpu.memory_space<semaphore_mem>>) src(%dma_wait3A_69 : memref<625x48xf32, #tpu.memory_space<hbm>>) dst(%dma_wait3A_67 : memref<625x48xf32, #tpu.memory_space<vmem_shared>>)
      tpu.yield
    }) : () -> ()
    "tpu.region"() ({
      %run_scoped3A = tpu.sem_alloc : memref<!tpu.dma_semaphore, #tpu.memory_space<semaphore_mem>>
      %dma_start3A_63 = arith.constant 0 : i32
      %dma_start3A_64 = arith.constant 0 : i32
      %dma_start3A_65 = tpu.memref_slice %arg7[%dma_start3A_63, %dma_start3A_64] : memref<56x128xi32, #tpu.memory_space<vmem>> -> memref<24x128xi32, #tpu.memory_space<vmem>>
      %dma_start3A_66 = arith.constant 0 : i32
      %dma_start3A_67 = tpu.memref_slice %arg3[%select_n3A_8, %dma_start3A_66] : memref<1280x128xi32, #tpu.memory_space<hbm>> -> memref<24x128xi32, #tpu.memory_space<hbm>>
      %dma_start3A_68 = arith.constant 0 : i32
      %dma_start3A_69 = arith.constant 0 : i32
      %dma_start3A_70 = tpu.memref_slice %arg7[%dma_start3A_68, %dma_start3A_69] : memref<56x128xi32, #tpu.memory_space<vmem>> -> memref<24x128xi32, #tpu.memory_space<vmem>>
      %dma_start3A_71 = arith.constant 0 : i32
      %dma_start3A_72 = tpu.memref_slice %arg3[%select_n3A_8, %dma_start3A_71] : memref<1280x128xi32, #tpu.memory_space<hbm>> -> memref<24x128xi32, #tpu.memory_space<hbm>>
      tpu.enqueue_dma source(%dma_start3A_72 : memref<24x128xi32, #tpu.memory_space<hbm>>) target(%dma_start3A_70 : memref<24x128xi32, #tpu.memory_space<vmem>>) target_semaphore(%run_scoped3A : memref<!tpu.dma_semaphore, #tpu.memory_space<semaphore_mem>>)
      %dma_wait3A = arith.constant 0 : i32
      %dma_wait3A_73 = arith.constant 0 : i32
      %dma_wait3A_74 = tpu.memref_slice %arg7[%dma_wait3A, %dma_wait3A_73] : memref<56x128xi32, #tpu.memory_space<vmem>> -> memref<24x128xi32, #tpu.memory_space<vmem>>
      %dma_wait3A_75 = arith.constant 0 : i32
      %dma_wait3A_76 = tpu.memref_slice %arg3[%select_n3A_8, %dma_wait3A_75] : memref<1280x128xi32, #tpu.memory_space<hbm>> -> memref<24x128xi32, #tpu.memory_space<hbm>>
      %dma_wait3A_77 = arith.constant 0 : i32
      %dma_wait3A_78 = arith.constant 0 : i32
      %dma_wait3A_79 = tpu.memref_slice %arg7[%dma_wait3A_77, %dma_wait3A_78] : memref<56x128xi32, #tpu.memory_space<vmem>> -> memref<24x128xi32, #tpu.memory_space<vmem>>
      %dma_wait3A_80 = arith.constant 0 : i32
      %dma_wait3A_81 = tpu.memref_slice %arg3[%select_n3A_8, %dma_wait3A_80] : memref<1280x128xi32, #tpu.memory_space<hbm>> -> memref<24x128xi32, #tpu.memory_space<hbm>>
      tpu.wait_dma2 semaphore(%run_scoped3A : memref<!tpu.dma_semaphore, #tpu.memory_space<semaphore_mem>>) src(%dma_wait3A_81 : memref<24x128xi32, #tpu.memory_space<hbm>>) dst(%dma_wait3A_79 : memref<24x128xi32, #tpu.memory_space<vmem>>)
      tpu.yield
    }) : () -> ()
    %eq3A_17 = arith.constant 1 : i32
    %eq3A_18 = arith.cmpi eq, %arg0, %eq3A_17 : i32
    %convert_element_type3A = arith.extui %eq3A_18 : i1 to i32
    %cond3A = arith.constant 0 : i32
    %cond3A_19 = arith.cmpi ne, %convert_element_type3A, %cond3A : i32
    scf.if %cond3A_19 {
      %add3A_63 = arith.constant 24 : i32
      %add3A_64 = arith.addi %select_n3A_8, %add3A_63 : i32
      "tpu.region"() ({
        %run_scoped3A = tpu.sem_alloc : memref<!tpu.dma_semaphore, #tpu.memory_space<semaphore_mem>>
        %dma_start3A_65 = arith.constant 24 : i32
        %dma_start3A_66 = arith.constant 0 : i32
        %dma_start3A_67 = tpu.memref_slice %arg7[%dma_start3A_65, %dma_start3A_66] : memref<56x128xi32, #tpu.memory_space<vmem>> -> memref<32x128xi32, #tpu.memory_space<vmem>>
        %dma_start3A_68 = arith.constant 0 : i32
        %dma_start3A_69 = tpu.memref_slice %arg3[%add3A_64, %dma_start3A_68] : memref<1280x128xi32, #tpu.memory_space<hbm>> -> memref<32x128xi32, #tpu.memory_space<hbm>>
        %dma_start3A_70 = arith.constant 24 : i32
        %dma_start3A_71 = arith.constant 0 : i32
        %dma_start3A_72 = tpu.memref_slice %arg7[%dma_start3A_70, %dma_start3A_71] : memref<56x128xi32, #tpu.memory_space<vmem>> -> memref<32x128xi32, #tpu.memory_space<vmem>>
        %dma_start3A_73 = arith.constant 0 : i32
        %dma_start3A_74 = tpu.memref_slice %arg3[%add3A_64, %dma_start3A_73] : memref<1280x128xi32, #tpu.memory_space<hbm>> -> memref<32x128xi32, #tpu.memory_space<hbm>>
        tpu.enqueue_dma source(%dma_start3A_74 : memref<32x128xi32, #tpu.memory_space<hbm>>) target(%dma_start3A_72 : memref<32x128xi32, #tpu.memory_space<vmem>>) target_semaphore(%run_scoped3A : memref<!tpu.dma_semaphore, #tpu.memory_space<semaphore_mem>>)
        %dma_wait3A = arith.constant 24 : i32
        %dma_wait3A_75 = arith.constant 0 : i32
        %dma_wait3A_76 = tpu.memref_slice %arg7[%dma_wait3A, %dma_wait3A_75] : memref<56x128xi32, #tpu.memory_space<vmem>> -> memref<32x128xi32, #tpu.memory_space<vmem>>
        %dma_wait3A_77 = arith.constant 0 : i32
        %dma_wait3A_78 = tpu.memref_slice %arg3[%add3A_64, %dma_wait3A_77] : memref<1280x128xi32, #tpu.memory_space<hbm>> -> memref<32x128xi32, #tpu.memory_space<hbm>>
        %dma_wait3A_79 = arith.constant 24 : i32
        %dma_wait3A_80 = arith.constant 0 : i32
        %dma_wait3A_81 = tpu.memref_slice %arg7[%dma_wait3A_79, %dma_wait3A_80] : memref<56x128xi32, #tpu.memory_space<vmem>> -> memref<32x128xi32, #tpu.memory_space<vmem>>
        %dma_wait3A_82 = arith.constant 0 : i32
        %dma_wait3A_83 = tpu.memref_slice %arg3[%add3A_64, %dma_wait3A_82] : memref<1280x128xi32, #tpu.memory_space<hbm>> -> memref<32x128xi32, #tpu.memory_space<hbm>>
        tpu.wait_dma2 semaphore(%run_scoped3A : memref<!tpu.dma_semaphore, #tpu.memory_space<semaphore_mem>>) src(%dma_wait3A_83 : memref<32x128xi32, #tpu.memory_space<hbm>>) dst(%dma_wait3A_81 : memref<32x128xi32, #tpu.memory_space<vmem>>)
        tpu.yield
      }) : () -> ()
    } else {
    }
    "tpu.region"() ({
      %run_scoped3A = tpu.sem_alloc : memref<!tpu.dma_semaphore, #tpu.memory_space<semaphore_mem>>
      %dma_start3A_63 = arith.constant 0 : i32
      %dma_start3A_64 = arith.constant 0 : i32
      %dma_start3A_65 = tpu.memref_slice %arg8[%dma_start3A_63, %dma_start3A_64] : memref<56x128xi32, #tpu.memory_space<vmem>> -> memref<24x128xi32, #tpu.memory_space<vmem>>
      %dma_start3A_66 = arith.constant 0 : i32
      %dma_start3A_67 = tpu.memref_slice %arg4[%select_n3A_8, %dma_start3A_66] : memref<1280x128xi32, #tpu.memory_space<hbm>> -> memref<24x128xi32, #tpu.memory_space<hbm>>
      %dma_start3A_68 = arith.constant 0 : i32
      %dma_start3A_69 = arith.constant 0 : i32
      %dma_start3A_70 = tpu.memref_slice %arg8[%dma_start3A_68, %dma_start3A_69] : memref<56x128xi32, #tpu.memory_space<vmem>> -> memref<24x128xi32, #tpu.memory_space<vmem>>
      %dma_start3A_71 = arith.constant 0 : i32
      %dma_start3A_72 = tpu.memref_slice %arg4[%select_n3A_8, %dma_start3A_71] : memref<1280x128xi32, #tpu.memory_space<hbm>> -> memref<24x128xi32, #tpu.memory_space<hbm>>
      tpu.enqueue_dma source(%dma_start3A_72 : memref<24x128xi32, #tpu.memory_space<hbm>>) target(%dma_start3A_70 : memref<24x128xi32, #tpu.memory_space<vmem>>) target_semaphore(%run_scoped3A : memref<!tpu.dma_semaphore, #tpu.memory_space<semaphore_mem>>)
      %dma_wait3A = arith.constant 0 : i32
      %dma_wait3A_73 = arith.constant 0 : i32
      %dma_wait3A_74 = tpu.memref_slice %arg8[%dma_wait3A, %dma_wait3A_73] : memref<56x128xi32, #tpu.memory_space<vmem>> -> memref<24x128xi32, #tpu.memory_space<vmem>>
      %dma_wait3A_75 = arith.constant 0 : i32
      %dma_wait3A_76 = tpu.memref_slice %arg4[%select_n3A_8, %dma_wait3A_75] : memref<1280x128xi32, #tpu.memory_space<hbm>> -> memref<24x128xi32, #tpu.memory_space<hbm>>
      %dma_wait3A_77 = arith.constant 0 : i32
      %dma_wait3A_78 = arith.constant 0 : i32
      %dma_wait3A_79 = tpu.memref_slice %arg8[%dma_wait3A_77, %dma_wait3A_78] : memref<56x128xi32, #tpu.memory_space<vmem>> -> memref<24x128xi32, #tpu.memory_space<vmem>>
      %dma_wait3A_80 = arith.constant 0 : i32
      %dma_wait3A_81 = tpu.memref_slice %arg4[%select_n3A_8, %dma_wait3A_80] : memref<1280x128xi32, #tpu.memory_space<hbm>> -> memref<24x128xi32, #tpu.memory_space<hbm>>
      tpu.wait_dma2 semaphore(%run_scoped3A : memref<!tpu.dma_semaphore, #tpu.memory_space<semaphore_mem>>) src(%dma_wait3A_81 : memref<24x128xi32, #tpu.memory_space<hbm>>) dst(%dma_wait3A_79 : memref<24x128xi32, #tpu.memory_space<vmem>>)
      tpu.yield
    }) : () -> ()
    %eq3A_20 = arith.constant 1 : i32
    %eq3A_21 = arith.cmpi eq, %arg0, %eq3A_20 : i32
    %convert_element_type3A_22 = arith.extui %eq3A_21 : i1 to i32
    %cond3A_23 = arith.constant 0 : i32
    %cond3A_24 = arith.cmpi ne, %convert_element_type3A_22, %cond3A_23 : i32
    scf.if %cond3A_24 {
      %add3A_63 = arith.constant 24 : i32
      %add3A_64 = arith.addi %select_n3A_8, %add3A_63 : i32
      "tpu.region"() ({
        %run_scoped3A = tpu.sem_alloc : memref<!tpu.dma_semaphore, #tpu.memory_space<semaphore_mem>>
        %dma_start3A_65 = arith.constant 24 : i32
        %dma_start3A_66 = arith.constant 0 : i32
        %dma_start3A_67 = tpu.memref_slice %arg8[%dma_start3A_65, %dma_start3A_66] : memref<56x128xi32, #tpu.memory_space<vmem>> -> memref<32x128xi32, #tpu.memory_space<vmem>>
        %dma_start3A_68 = arith.constant 0 : i32
        %dma_start3A_69 = tpu.memref_slice %arg4[%add3A_64, %dma_start3A_68] : memref<1280x128xi32, #tpu.memory_space<hbm>> -> memref<32x128xi32, #tpu.memory_space<hbm>>
        %dma_start3A_70 = arith.constant 24 : i32
        %dma_start3A_71 = arith.constant 0 : i32
        %dma_start3A_72 = tpu.memref_slice %arg8[%dma_start3A_70, %dma_start3A_71] : memref<56x128xi32, #tpu.memory_space<vmem>> -> memref<32x128xi32, #tpu.memory_space<vmem>>
        %dma_start3A_73 = arith.constant 0 : i32
        %dma_start3A_74 = tpu.memref_slice %arg4[%add3A_64, %dma_start3A_73] : memref<1280x128xi32, #tpu.memory_space<hbm>> -> memref<32x128xi32, #tpu.memory_space<hbm>>
        tpu.enqueue_dma source(%dma_start3A_74 : memref<32x128xi32, #tpu.memory_space<hbm>>) target(%dma_start3A_72 : memref<32x128xi32, #tpu.memory_space<vmem>>) target_semaphore(%run_scoped3A : memref<!tpu.dma_semaphore, #tpu.memory_space<semaphore_mem>>)
        %dma_wait3A = arith.constant 24 : i32
        %dma_wait3A_75 = arith.constant 0 : i32
        %dma_wait3A_76 = tpu.memref_slice %arg8[%dma_wait3A, %dma_wait3A_75] : memref<56x128xi32, #tpu.memory_space<vmem>> -> memref<32x128xi32, #tpu.memory_space<vmem>>
        %dma_wait3A_77 = arith.constant 0 : i32
        %dma_wait3A_78 = tpu.memref_slice %arg4[%add3A_64, %dma_wait3A_77] : memref<1280x128xi32, #tpu.memory_space<hbm>> -> memref<32x128xi32, #tpu.memory_space<hbm>>
        %dma_wait3A_79 = arith.constant 24 : i32
        %dma_wait3A_80 = arith.constant 0 : i32
        %dma_wait3A_81 = tpu.memref_slice %arg8[%dma_wait3A_79, %dma_wait3A_80] : memref<56x128xi32, #tpu.memory_space<vmem>> -> memref<32x128xi32, #tpu.memory_space<vmem>>
        %dma_wait3A_82 = arith.constant 0 : i32
        %dma_wait3A_83 = tpu.memref_slice %arg4[%add3A_64, %dma_wait3A_82] : memref<1280x128xi32, #tpu.memory_space<hbm>> -> memref<32x128xi32, #tpu.memory_space<hbm>>
        tpu.wait_dma2 semaphore(%run_scoped3A : memref<!tpu.dma_semaphore, #tpu.memory_space<semaphore_mem>>) src(%dma_wait3A_83 : memref<32x128xi32, #tpu.memory_space<hbm>>) dst(%dma_wait3A_81 : memref<32x128xi32, #tpu.memory_space<vmem>>)
        tpu.yield
      }) : () -> ()
    } else {
    }
    %barrier3A = arith.constant 0 : index
    tpu.barrier barrier_id(%barrier3A)
    %dma_start3A = arith.constant 0 : i32
    %dma_start3A_25 = arith.constant 0 : i32
    %dma_start3A_26 = tpu.memref_slice %arg7[%dma_start3A, %dma_start3A_25] : memref<56x128xi32, #tpu.memory_space<vmem>> -> memref<1x128xi32, #tpu.memory_space<vmem>>
    %dma_start3A_27 = tpu.memref_squeeze %dma_start3A_26 : memref<1x128xi32, #tpu.memory_space<vmem>> -> memref<128xi32, #tpu.memory_space<vmem>>
    %dma_start3A_28 = arith.constant 0 : i32
    %dma_start3A_29 = arith.constant 0 : i32
    %dma_start3A_30 = tpu.memref_slice %arg12[%dma_start3A_28, %dma_start3A_29] : memref<10000x48xf32, #tpu.memory_space<vmem_shared>> -> memref<10000x48xf32, #tpu.memory_space<vmem_shared>>
    tpu.enqueue_indirect_dma source(%dma_start3A_30 : memref<10000x48xf32, #tpu.memory_space<vmem_shared>>) target(%arg9 : memref<128x48xf32, #tpu.memory_space<vmem>>) offsets(%dma_start3A_27 : memref<128xi32, #tpu.memory_space<vmem>>) semaphore(%arg13 : memref<!tpu.dma_semaphore, #tpu.memory_space<semaphore_mem>>)
    %jit3A_31 = arith.constant 2 : i32
    %div3A = arith.divsi %select_n3A, %jit3A_31 : i32
    %sign3A = arith.constant 0 : i32
    %sign3A_32 = arith.cmpi sgt, %select_n3A, %sign3A : i32
    %sign3A_33 = arith.extui %sign3A_32 : i1 to i32
    %sign3A_34 = arith.constant 0 : i32
    %sign3A_35 = arith.cmpi slt, %select_n3A, %sign3A_34 : i32
    %sign3A_36 = arith.extui %sign3A_35 : i1 to i32
    %sign3A_37 = arith.subi %sign3A_33, %sign3A_36 : i32
    %sign3A_38 = arith.constant 0 : i32
    %sign3A_39 = arith.cmpi sgt, %jit3A_31, %sign3A_38 : i32
    %sign3A_40 = arith.extui %sign3A_39 : i1 to i32
    %sign3A_41 = arith.constant 0 : i32
    %sign3A_42 = arith.cmpi slt, %jit3A_31, %sign3A_41 : i32
    %sign3A_43 = arith.extui %sign3A_42 : i1 to i32
    %sign3A_44 = arith.subi %sign3A_40, %sign3A_43 : i32
    %ne3A = arith.cmpi ne, %sign3A_37, %sign3A_44 : i32
    %rem3A = arith.remsi %select_n3A, %jit3A_31 : i32
    %ne3A_45 = arith.constant 0 : i32
    %ne3A_46 = arith.cmpi ne, %rem3A, %ne3A_45 : i32
    %and3A = arith.andi %ne3A, %ne3A_46 : i1
    %sub3A = arith.constant 1 : i32
    %sub3A_47 = arith.subi %div3A, %sub3A : i32
    %select_n3A_48 = arith.select %and3A, %sub3A_47, %div3A : i32
    %while3A = arith.constant 0 : i32
    %while3A_49 = arith.constant 0 : i32
    %while3A_50 = arith.subi %select_n3A_48, %while3A_49 : i32
    %while3A_51 = arith.addi %while3A_49, %while3A_50 : i32
    %while3A_52 = arith.constant 1 : i32
    %while3A_53 = arith.divsi %while3A_50, %while3A_52 : i32
    %while3A_54 = arith.muli %while3A_53, %while3A_52 : i32
    %while3A_55 = arith.addi %while3A_49, %while3A_54 : i32
    %while3A_56 = arith.constant 1 : i32
    scf.for %while3A_63 = %while3A_49 to %while3A_55 step %while3A_56  : i32 {
      %mul3A_64 = arith.constant 2 : i32
      %mul3A_65 = arith.muli %mul3A_64, %while3A_63 : i32
      %add3A_66 = arith.constant 1 : i32
      %add3A_67 = arith.addi %mul3A_65, %add3A_66 : i32
      %dma_start3A_68 = arith.constant 0 : i32
      %dma_start3A_69 = tpu.memref_slice %arg7[%add3A_67, %dma_start3A_68] : memref<56x128xi32, #tpu.memory_space<vmem>> -> memref<1x128xi32, #tpu.memory_space<vmem>>
      %dma_start3A_70 = tpu.memref_squeeze %dma_start3A_69 : memref<1x128xi32, #tpu.memory_space<vmem>> -> memref<128xi32, #tpu.memory_space<vmem>>
      %dma_start3A_71 = arith.constant 0 : i32
      %dma_start3A_72 = arith.constant 0 : i32
      %dma_start3A_73 = tpu.memref_slice %arg12[%dma_start3A_71, %dma_start3A_72] : memref<10000x48xf32, #tpu.memory_space<vmem_shared>> -> memref<10000x48xf32, #tpu.memory_space<vmem_shared>>
      tpu.enqueue_indirect_dma source(%dma_start3A_73 : memref<10000x48xf32, #tpu.memory_space<vmem_shared>>) target(%arg10 : memref<128x48xf32, #tpu.memory_space<vmem>>) offsets(%dma_start3A_70 : memref<128xi32, #tpu.memory_space<vmem>>) semaphore(%arg14 : memref<!tpu.dma_semaphore, #tpu.memory_space<semaphore_mem>>)
      %dma_wait3A = arith.constant 0 : i32
      %dma_wait3A_74 = tpu.memref_slice %arg7[%mul3A_65, %dma_wait3A] : memref<56x128xi32, #tpu.memory_space<vmem>> -> memref<1x128xi32, #tpu.memory_space<vmem>>
      %dma_wait3A_75 = tpu.memref_squeeze %dma_wait3A_74 : memref<1x128xi32, #tpu.memory_space<vmem>> -> memref<128xi32, #tpu.memory_space<vmem>>
      %dma_wait3A_76 = arith.constant 0 : i32
      %dma_wait3A_77 = arith.constant 0 : i32
      %dma_wait3A_78 = tpu.memref_slice %arg12[%dma_wait3A_76, %dma_wait3A_77] : memref<10000x48xf32, #tpu.memory_space<vmem_shared>> -> memref<10000x48xf32, #tpu.memory_space<vmem_shared>>
      tpu.wait_indirect_dma semaphore(%arg13 : memref<!tpu.dma_semaphore, #tpu.memory_space<semaphore_mem>>) src(%dma_wait3A_78 : memref<10000x48xf32, #tpu.memory_space<vmem_shared>>) dst(%arg9 : memref<128x48xf32, #tpu.memory_space<vmem>>)
      "tpu.region"() ({
        %run_scoped3A = tpu.sem_alloc : memref<!tpu.dma_semaphore, #tpu.memory_space<semaphore_mem>>
        %dma_start3A_94 = arith.constant 0 : i32
        %dma_start3A_95 = tpu.memref_slice %arg8[%mul3A_65, %dma_start3A_94] : memref<56x128xi32, #tpu.memory_space<vmem>> -> memref<1x128xi32, #tpu.memory_space<vmem>>
        %dma_start3A_96 = tpu.memref_squeeze %dma_start3A_95 : memref<1x128xi32, #tpu.memory_space<vmem>> -> memref<128xi32, #tpu.memory_space<vmem>>
        %dma_start3A_97 = arith.constant 0 : i32
        %dma_start3A_98 = arith.constant 0 : i32
        %dma_start3A_99 = tpu.memref_slice %arg11[%dma_start3A_97, %dma_start3A_98] : memref<10112x48xf32, #tpu.memory_space<vmem_shared>> -> memref<10112x48xf32, #tpu.memory_space<vmem_shared>>
        tpu.enqueue_indirect_dma source(%arg9 : memref<128x48xf32, #tpu.memory_space<vmem>>) target(%dma_start3A_99 : memref<10112x48xf32, #tpu.memory_space<vmem_shared>>) offsets(%dma_start3A_96 : memref<128xi32, #tpu.memory_space<vmem>>) semaphore(%run_scoped3A : memref<!tpu.dma_semaphore, #tpu.memory_space<semaphore_mem>>) {add = true}
        %dma_wait3A_100 = arith.constant 0 : i32
        %dma_wait3A_101 = tpu.memref_slice %arg8[%mul3A_65, %dma_wait3A_100] : memref<56x128xi32, #tpu.memory_space<vmem>> -> memref<1x128xi32, #tpu.memory_space<vmem>>
        %dma_wait3A_102 = tpu.memref_squeeze %dma_wait3A_101 : memref<1x128xi32, #tpu.memory_space<vmem>> -> memref<128xi32, #tpu.memory_space<vmem>>
        %dma_wait3A_103 = arith.constant 0 : i32
        %dma_wait3A_104 = arith.constant 0 : i32
        %dma_wait3A_105 = tpu.memref_slice %arg11[%dma_wait3A_103, %dma_wait3A_104] : memref<10112x48xf32, #tpu.memory_space<vmem_shared>> -> memref<10112x48xf32, #tpu.memory_space<vmem_shared>>
        tpu.wait_indirect_dma semaphore(%run_scoped3A : memref<!tpu.dma_semaphore, #tpu.memory_space<semaphore_mem>>) src(%arg9 : memref<128x48xf32, #tpu.memory_space<vmem>>) dst(%dma_wait3A_105 : memref<10112x48xf32, #tpu.memory_space<vmem_shared>>)
        tpu.yield
      }) : () -> ()
      %add3A_79 = arith.constant 2 : i32
      %add3A_80 = arith.addi %mul3A_65, %add3A_79 : i32
      %lt3A = arith.cmpi slt, %add3A_80, %select_n3A : i32
      %convert_element_type3A_81 = arith.extui %lt3A : i1 to i32
      %cond3A_82 = arith.constant 0 : i32
      %cond3A_83 = arith.cmpi ne, %convert_element_type3A_81, %cond3A_82 : i32
      scf.if %cond3A_83 {
        %add3A_94 = arith.constant 2 : i32
        %add3A_95 = arith.addi %mul3A_65, %add3A_94 : i32
        %dma_start3A_96 = arith.constant 0 : i32
        %dma_start3A_97 = tpu.memref_slice %arg7[%add3A_95, %dma_start3A_96] : memref<56x128xi32, #tpu.memory_space<vmem>> -> memref<1x128xi32, #tpu.memory_space<vmem>>
        %dma_start3A_98 = tpu.memref_squeeze %dma_start3A_97 : memref<1x128xi32, #tpu.memory_space<vmem>> -> memref<128xi32, #tpu.memory_space<vmem>>
        %dma_start3A_99 = arith.constant 0 : i32
        %dma_start3A_100 = arith.constant 0 : i32
        %dma_start3A_101 = tpu.memref_slice %arg12[%dma_start3A_99, %dma_start3A_100] : memref<10000x48xf32, #tpu.memory_space<vmem_shared>> -> memref<10000x48xf32, #tpu.memory_space<vmem_shared>>
        tpu.enqueue_indirect_dma source(%dma_start3A_101 : memref<10000x48xf32, #tpu.memory_space<vmem_shared>>) target(%arg9 : memref<128x48xf32, #tpu.memory_space<vmem>>) offsets(%dma_start3A_98 : memref<128xi32, #tpu.memory_space<vmem>>) semaphore(%arg13 : memref<!tpu.dma_semaphore, #tpu.memory_space<semaphore_mem>>)
      } else {
      }
      %add3A_84 = arith.constant 1 : i32
      %add3A_85 = arith.addi %mul3A_65, %add3A_84 : i32
      %dma_wait3A_86 = arith.constant 0 : i32
      %dma_wait3A_87 = tpu.memref_slice %arg7[%add3A_85, %dma_wait3A_86] : memref<56x128xi32, #tpu.memory_space<vmem>> -> memref<1x128xi32, #tpu.memory_space<vmem>>
      %dma_wait3A_88 = tpu.memref_squeeze %dma_wait3A_87 : memref<1x128xi32, #tpu.memory_space<vmem>> -> memref<128xi32, #tpu.memory_space<vmem>>
      %dma_wait3A_89 = arith.constant 0 : i32
      %dma_wait3A_90 = arith.constant 0 : i32
      %dma_wait3A_91 = tpu.memref_slice %arg12[%dma_wait3A_89, %dma_wait3A_90] : memref<10000x48xf32, #tpu.memory_space<vmem_shared>> -> memref<10000x48xf32, #tpu.memory_space<vmem_shared>>
      tpu.wait_indirect_dma semaphore(%arg14 : memref<!tpu.dma_semaphore, #tpu.memory_space<semaphore_mem>>) src(%dma_wait3A_91 : memref<10000x48xf32, #tpu.memory_space<vmem_shared>>) dst(%arg10 : memref<128x48xf32, #tpu.memory_space<vmem>>)
      %add3A_92 = arith.constant 1 : i32
      %add3A_93 = arith.addi %mul3A_65, %add3A_92 : i32
      "tpu.region"() ({
        %run_scoped3A = tpu.sem_alloc : memref<!tpu.dma_semaphore, #tpu.memory_space<semaphore_mem>>
        %dma_start3A_94 = arith.constant 0 : i32
        %dma_start3A_95 = tpu.memref_slice %arg8[%add3A_93, %dma_start3A_94] : memref<56x128xi32, #tpu.memory_space<vmem>> -> memref<1x128xi32, #tpu.memory_space<vmem>>
        %dma_start3A_96 = tpu.memref_squeeze %dma_start3A_95 : memref<1x128xi32, #tpu.memory_space<vmem>> -> memref<128xi32, #tpu.memory_space<vmem>>
        %dma_start3A_97 = arith.constant 0 : i32
        %dma_start3A_98 = arith.constant 0 : i32
        %dma_start3A_99 = tpu.memref_slice %arg11[%dma_start3A_97, %dma_start3A_98] : memref<10112x48xf32, #tpu.memory_space<vmem_shared>> -> memref<10112x48xf32, #tpu.memory_space<vmem_shared>>
        tpu.enqueue_indirect_dma source(%arg10 : memref<128x48xf32, #tpu.memory_space<vmem>>) target(%dma_start3A_99 : memref<10112x48xf32, #tpu.memory_space<vmem_shared>>) offsets(%dma_start3A_96 : memref<128xi32, #tpu.memory_space<vmem>>) semaphore(%run_scoped3A : memref<!tpu.dma_semaphore, #tpu.memory_space<semaphore_mem>>) {add = true}
        %dma_wait3A_100 = arith.constant 0 : i32
        %dma_wait3A_101 = tpu.memref_slice %arg8[%add3A_93, %dma_wait3A_100] : memref<56x128xi32, #tpu.memory_space<vmem>> -> memref<1x128xi32, #tpu.memory_space<vmem>>
        %dma_wait3A_102 = tpu.memref_squeeze %dma_wait3A_101 : memref<1x128xi32, #tpu.memory_space<vmem>> -> memref<128xi32, #tpu.memory_space<vmem>>
        %dma_wait3A_103 = arith.constant 0 : i32
        %dma_wait3A_104 = arith.constant 0 : i32
        %dma_wait3A_105 = tpu.memref_slice %arg11[%dma_wait3A_103, %dma_wait3A_104] : memref<10112x48xf32, #tpu.memory_space<vmem_shared>> -> memref<10112x48xf32, #tpu.memory_space<vmem_shared>>
        tpu.wait_indirect_dma semaphore(%run_scoped3A : memref<!tpu.dma_semaphore, #tpu.memory_space<semaphore_mem>>) src(%arg10 : memref<128x48xf32, #tpu.memory_space<vmem>>) dst(%dma_wait3A_105 : memref<10112x48xf32, #tpu.memory_space<vmem_shared>>)
        tpu.yield
      }) : () -> ()
    }
    %while3A_57 = arith.constant 1 : i32
    scf.for %while3A_63 = %while3A_55 to %while3A_51 step %while3A_57  : i32 {
      %mul3A_64 = arith.constant 2 : i32
      %mul3A_65 = arith.muli %mul3A_64, %while3A_63 : i32
      %add3A_66 = arith.constant 1 : i32
      %add3A_67 = arith.addi %mul3A_65, %add3A_66 : i32
      %dma_start3A_68 = arith.constant 0 : i32
      %dma_start3A_69 = tpu.memref_slice %arg7[%add3A_67, %dma_start3A_68] : memref<56x128xi32, #tpu.memory_space<vmem>> -> memref<1x128xi32, #tpu.memory_space<vmem>>
      %dma_start3A_70 = tpu.memref_squeeze %dma_start3A_69 : memref<1x128xi32, #tpu.memory_space<vmem>> -> memref<128xi32, #tpu.memory_space<vmem>>
      %dma_start3A_71 = arith.constant 0 : i32
      %dma_start3A_72 = arith.constant 0 : i32
      %dma_start3A_73 = tpu.memref_slice %arg12[%dma_start3A_71, %dma_start3A_72] : memref<10000x48xf32, #tpu.memory_space<vmem_shared>> -> memref<10000x48xf32, #tpu.memory_space<vmem_shared>>
      tpu.enqueue_indirect_dma source(%dma_start3A_73 : memref<10000x48xf32, #tpu.memory_space<vmem_shared>>) target(%arg10 : memref<128x48xf32, #tpu.memory_space<vmem>>) offsets(%dma_start3A_70 : memref<128xi32, #tpu.memory_space<vmem>>) semaphore(%arg14 : memref<!tpu.dma_semaphore, #tpu.memory_space<semaphore_mem>>)
      %dma_wait3A = arith.constant 0 : i32
      %dma_wait3A_74 = tpu.memref_slice %arg7[%mul3A_65, %dma_wait3A] : memref<56x128xi32, #tpu.memory_space<vmem>> -> memref<1x128xi32, #tpu.memory_space<vmem>>
      %dma_wait3A_75 = tpu.memref_squeeze %dma_wait3A_74 : memref<1x128xi32, #tpu.memory_space<vmem>> -> memref<128xi32, #tpu.memory_space<vmem>>
      %dma_wait3A_76 = arith.constant 0 : i32
      %dma_wait3A_77 = arith.constant 0 : i32
      %dma_wait3A_78 = tpu.memref_slice %arg12[%dma_wait3A_76, %dma_wait3A_77] : memref<10000x48xf32, #tpu.memory_space<vmem_shared>> -> memref<10000x48xf32, #tpu.memory_space<vmem_shared>>
      tpu.wait_indirect_dma semaphore(%arg13 : memref<!tpu.dma_semaphore, #tpu.memory_space<semaphore_mem>>) src(%dma_wait3A_78 : memref<10000x48xf32, #tpu.memory_space<vmem_shared>>) dst(%arg9 : memref<128x48xf32, #tpu.memory_space<vmem>>)
      "tpu.region"() ({
        %run_scoped3A = tpu.sem_alloc : memref<!tpu.dma_semaphore, #tpu.memory_space<semaphore_mem>>
        %dma_start3A_94 = arith.constant 0 : i32
        %dma_start3A_95 = tpu.memref_slice %arg8[%mul3A_65, %dma_start3A_94] : memref<56x128xi32, #tpu.memory_space<vmem>> -> memref<1x128xi32, #tpu.memory_space<vmem>>
        %dma_start3A_96 = tpu.memref_squeeze %dma_start3A_95 : memref<1x128xi32, #tpu.memory_space<vmem>> -> memref<128xi32, #tpu.memory_space<vmem>>
        %dma_start3A_97 = arith.constant 0 : i32
        %dma_start3A_98 = arith.constant 0 : i32
        %dma_start3A_99 = tpu.memref_slice %arg11[%dma_start3A_97, %dma_start3A_98] : memref<10112x48xf32, #tpu.memory_space<vmem_shared>> -> memref<10112x48xf32, #tpu.memory_space<vmem_shared>>
        tpu.enqueue_indirect_dma source(%arg9 : memref<128x48xf32, #tpu.memory_space<vmem>>) target(%dma_start3A_99 : memref<10112x48xf32, #tpu.memory_space<vmem_shared>>) offsets(%dma_start3A_96 : memref<128xi32, #tpu.memory_space<vmem>>) semaphore(%run_scoped3A : memref<!tpu.dma_semaphore, #tpu.memory_space<semaphore_mem>>) {add = true}
        %dma_wait3A_100 = arith.constant 0 : i32
        %dma_wait3A_101 = tpu.memref_slice %arg8[%mul3A_65, %dma_wait3A_100] : memref<56x128xi32, #tpu.memory_space<vmem>> -> memref<1x128xi32, #tpu.memory_space<vmem>>
        %dma_wait3A_102 = tpu.memref_squeeze %dma_wait3A_101 : memref<1x128xi32, #tpu.memory_space<vmem>> -> memref<128xi32, #tpu.memory_space<vmem>>
        %dma_wait3A_103 = arith.constant 0 : i32
        %dma_wait3A_104 = arith.constant 0 : i32
        %dma_wait3A_105 = tpu.memref_slice %arg11[%dma_wait3A_103, %dma_wait3A_104] : memref<10112x48xf32, #tpu.memory_space<vmem_shared>> -> memref<10112x48xf32, #tpu.memory_space<vmem_shared>>
        tpu.wait_indirect_dma semaphore(%run_scoped3A : memref<!tpu.dma_semaphore, #tpu.memory_space<semaphore_mem>>) src(%arg9 : memref<128x48xf32, #tpu.memory_space<vmem>>) dst(%dma_wait3A_105 : memref<10112x48xf32, #tpu.memory_space<vmem_shared>>)
        tpu.yield
      }) : () -> ()
      %add3A_79 = arith.constant 2 : i32
      %add3A_80 = arith.addi %mul3A_65, %add3A_79 : i32
      %lt3A = arith.cmpi slt, %add3A_80, %select_n3A : i32
      %convert_element_type3A_81 = arith.extui %lt3A : i1 to i32
      %cond3A_82 = arith.constant 0 : i32
      %cond3A_83 = arith.cmpi ne, %convert_element_type3A_81, %cond3A_82 : i32
      scf.if %cond3A_83 {
        %add3A_94 = arith.constant 2 : i32
        %add3A_95 = arith.addi %mul3A_65, %add3A_94 : i32
        %dma_start3A_96 = arith.constant 0 : i32
        %dma_start3A_97 = tpu.memref_slice %arg7[%add3A_95, %dma_start3A_96] : memref<56x128xi32, #tpu.memory_space<vmem>> -> memref<1x128xi32, #tpu.memory_space<vmem>>
        %dma_start3A_98 = tpu.memref_squeeze %dma_start3A_97 : memref<1x128xi32, #tpu.memory_space<vmem>> -> memref<128xi32, #tpu.memory_space<vmem>>
        %dma_start3A_99 = arith.constant 0 : i32
        %dma_start3A_100 = arith.constant 0 : i32
        %dma_start3A_101 = tpu.memref_slice %arg12[%dma_start3A_99, %dma_start3A_100] : memref<10000x48xf32, #tpu.memory_space<vmem_shared>> -> memref<10000x48xf32, #tpu.memory_space<vmem_shared>>
        tpu.enqueue_indirect_dma source(%dma_start3A_101 : memref<10000x48xf32, #tpu.memory_space<vmem_shared>>) target(%arg9 : memref<128x48xf32, #tpu.memory_space<vmem>>) offsets(%dma_start3A_98 : memref<128xi32, #tpu.memory_space<vmem>>) semaphore(%arg13 : memref<!tpu.dma_semaphore, #tpu.memory_space<semaphore_mem>>)
      } else {
      }
      %add3A_84 = arith.constant 1 : i32
      %add3A_85 = arith.addi %mul3A_65, %add3A_84 : i32
      %dma_wait3A_86 = arith.constant 0 : i32
      %dma_wait3A_87 = tpu.memref_slice %arg7[%add3A_85, %dma_wait3A_86] : memref<56x128xi32, #tpu.memory_space<vmem>> -> memref<1x128xi32, #tpu.memory_space<vmem>>
      %dma_wait3A_88 = tpu.memref_squeeze %dma_wait3A_87 : memref<1x128xi32, #tpu.memory_space<vmem>> -> memref<128xi32, #tpu.memory_space<vmem>>
      %dma_wait3A_89 = arith.constant 0 : i32
      %dma_wait3A_90 = arith.constant 0 : i32
      %dma_wait3A_91 = tpu.memref_slice %arg12[%dma_wait3A_89, %dma_wait3A_90] : memref<10000x48xf32, #tpu.memory_space<vmem_shared>> -> memref<10000x48xf32, #tpu.memory_space<vmem_shared>>
      tpu.wait_indirect_dma semaphore(%arg14 : memref<!tpu.dma_semaphore, #tpu.memory_space<semaphore_mem>>) src(%dma_wait3A_91 : memref<10000x48xf32, #tpu.memory_space<vmem_shared>>) dst(%arg10 : memref<128x48xf32, #tpu.memory_space<vmem>>)
      %add3A_92 = arith.constant 1 : i32
      %add3A_93 = arith.addi %mul3A_65, %add3A_92 : i32
      "tpu.region"() ({
        %run_scoped3A = tpu.sem_alloc : memref<!tpu.dma_semaphore, #tpu.memory_space<semaphore_mem>>
        %dma_start3A_94 = arith.constant 0 : i32
        %dma_start3A_95 = tpu.memref_slice %arg8[%add3A_93, %dma_start3A_94] : memref<56x128xi32, #tpu.memory_space<vmem>> -> memref<1x128xi32, #tpu.memory_space<vmem>>
        %dma_start3A_96 = tpu.memref_squeeze %dma_start3A_95 : memref<1x128xi32, #tpu.memory_space<vmem>> -> memref<128xi32, #tpu.memory_space<vmem>>
        %dma_start3A_97 = arith.constant 0 : i32
        %dma_start3A_98 = arith.constant 0 : i32
        %dma_start3A_99 = tpu.memref_slice %arg11[%dma_start3A_97, %dma_start3A_98] : memref<10112x48xf32, #tpu.memory_space<vmem_shared>> -> memref<10112x48xf32, #tpu.memory_space<vmem_shared>>
        tpu.enqueue_indirect_dma source(%arg10 : memref<128x48xf32, #tpu.memory_space<vmem>>) target(%dma_start3A_99 : memref<10112x48xf32, #tpu.memory_space<vmem_shared>>) offsets(%dma_start3A_96 : memref<128xi32, #tpu.memory_space<vmem>>) semaphore(%run_scoped3A : memref<!tpu.dma_semaphore, #tpu.memory_space<semaphore_mem>>) {add = true}
        %dma_wait3A_100 = arith.constant 0 : i32
        %dma_wait3A_101 = tpu.memref_slice %arg8[%add3A_93, %dma_wait3A_100] : memref<56x128xi32, #tpu.memory_space<vmem>> -> memref<1x128xi32, #tpu.memory_space<vmem>>
        %dma_wait3A_102 = tpu.memref_squeeze %dma_wait3A_101 : memref<1x128xi32, #tpu.memory_space<vmem>> -> memref<128xi32, #tpu.memory_space<vmem>>
        %dma_wait3A_103 = arith.constant 0 : i32
        %dma_wait3A_104 = arith.constant 0 : i32
        %dma_wait3A_105 = tpu.memref_slice %arg11[%dma_wait3A_103, %dma_wait3A_104] : memref<10112x48xf32, #tpu.memory_space<vmem_shared>> -> memref<10112x48xf32, #tpu.memory_space<vmem_shared>>
        tpu.wait_indirect_dma semaphore(%run_scoped3A : memref<!tpu.dma_semaphore, #tpu.memory_space<semaphore_mem>>) src(%arg10 : memref<128x48xf32, #tpu.memory_space<vmem>>) dst(%dma_wait3A_105 : memref<10112x48xf32, #tpu.memory_space<vmem_shared>>)
        tpu.yield
      }) : () -> ()
    }
    %barrier3A_58 = arith.constant 0 : index
    tpu.barrier barrier_id(%barrier3A_58)
    %mul3A_59 = arith.constant 632 : i32
    %mul3A_60 = arith.muli %arg1, %mul3A_59 : i32
    %mul3A_61 = arith.constant 632 : i32
    %mul3A_62 = arith.muli %arg1, %mul3A_61 : i32
    "tpu.region"() ({
      %run_scoped3A = tpu.sem_alloc : memref<!tpu.dma_semaphore, #tpu.memory_space<semaphore_mem>>
      %dma_start3A_63 = arith.constant 0 : i32
      %dma_start3A_64 = tpu.memref_slice %arg6[%arg0, %mul3A_62, %dma_start3A_63] : memref<2x10112x48xf32, #tpu.memory_space<hbm>> -> memref<1x632x48xf32, #tpu.memory_space<hbm>>
      %dma_start3A_65 = tpu.memref_squeeze %dma_start3A_64 : memref<1x632x48xf32, #tpu.memory_space<hbm>> -> memref<632x48xf32, #tpu.memory_space<hbm>>
      %dma_start3A_66 = arith.constant 0 : i32
      %dma_start3A_67 = tpu.memref_slice %arg11[%mul3A_60, %dma_start3A_66] : memref<10112x48xf32, #tpu.memory_space<vmem_shared>> -> memref<632x48xf32, #tpu.memory_space<vmem_shared>>
      tpu.enqueue_dma source(%dma_start3A_67 : memref<632x48xf32, #tpu.memory_space<vmem_shared>>) target(%dma_start3A_65 : memref<632x48xf32, #tpu.memory_space<hbm>>) target_semaphore(%run_scoped3A : memref<!tpu.dma_semaphore, #tpu.memory_space<semaphore_mem>>)
      %dma_wait3A = arith.constant 0 : i32
      %dma_wait3A_68 = tpu.memref_slice %arg6[%arg0, %mul3A_62, %dma_wait3A] : memref<2x10112x48xf32, #tpu.memory_space<hbm>> -> memref<1x632x48xf32, #tpu.memory_space<hbm>>
      %dma_wait3A_69 = tpu.memref_squeeze %dma_wait3A_68 : memref<1x632x48xf32, #tpu.memory_space<hbm>> -> memref<632x48xf32, #tpu.memory_space<hbm>>
      %dma_wait3A_70 = arith.constant 0 : i32
      %dma_wait3A_71 = tpu.memref_slice %arg11[%mul3A_60, %dma_wait3A_70] : memref<10112x48xf32, #tpu.memory_space<vmem_shared>> -> memref<632x48xf32, #tpu.memory_space<vmem_shared>>
      tpu.wait_dma2 semaphore(%run_scoped3A : memref<!tpu.dma_semaphore, #tpu.memory_space<semaphore_mem>>) src(%dma_wait3A_71 : memref<632x48xf32, #tpu.memory_space<vmem_shared>>) dst(%dma_wait3A_69 : memref<632x48xf32, #tpu.memory_space<hbm>>)
      tpu.yield
    }) : () -> ()
    return
  }
}

#map = affine_map<(d0, d1) -> (0, 0)>
#map1 = affine_map<(d0, d1) -> (0, 0, 0)>
module attributes {stable_mosaic.version = 14 : i64} {
  func.func @sc_pass(%arg0: i32, %arg1: i32, %arg2: memref<10000x32xf32, #tpu.memory_space<hbm>>, %arg3: memref<1280x128xi32, #tpu.memory_space<hbm>>, %arg4: memref<1280x128xi32, #tpu.memory_space<hbm>>, %arg5: memref<10112x32xf32, #tpu.memory_space<hbm>>, %arg6: memref<2x10112x32xf32, #tpu.memory_space<hbm>>, %arg7: memref<56x128xi32, #tpu.memory_space<vmem>>, %arg8: memref<56x128xi32, #tpu.memory_space<vmem>>, %arg9: memref<128x32xf32, #tpu.memory_space<vmem>>, %arg10: memref<128x32xf32, #tpu.memory_space<vmem>>, %arg11: memref<10112x32xf32, #tpu.memory_space<vmem_shared>>, %arg12: memref<10000x32xf32, #tpu.memory_space<vmem_shared>>, %arg13: memref<!tpu.dma_semaphore, #tpu.memory_space<semaphore_mem>>, %arg14: memref<!tpu.dma_semaphore, #tpu.memory_space<semaphore_mem>>) attributes {dimension_semantics = [#tpu.dimension_semantics<core_parallel>, #tpu.dimension_semantics<subcore_parallel>], iteration_bounds = array<i64: 2, 16>, scalar_prefetch = 0 : i64, scratch_operands = 8 : i64, tpu.core_type = #tpu.core_type<sc_vector_subcore>, window_params = [{transform_indices = #map}, {transform_indices = #map}, {transform_indices = #map}, {transform_indices = #map}, {transform_indices = #map1}]} {
    %eq3A = arith.constant 0 : i32
    %eq3A_0 = arith.cmpi eq, %arg0, %eq3A : i32
    %jit3A = arith.constant 24 : i32
    %jit3A_1 = arith.constant 56 : i32
    %select_n3A = arith.select %eq3A_0, %jit3A, %jit3A_1 : i32
    %eq3A_2 = arith.constant 0 : i32
    %eq3A_3 = arith.cmpi eq, %arg0, %eq3A_2 : i32
    %mul3A = arith.constant 24 : i32
    %mul3A_4 = arith.muli %arg1, %mul3A : i32
    %mul3A_5 = arith.constant 56 : i32
    %mul3A_6 = arith.muli %arg1, %mul3A_5 : i32
    %add3A = arith.constant 384 : i32
    %add3A_7 = arith.addi %add3A, %mul3A_6 : i32
    %select_n3A_8 = arith.select %eq3A_3, %mul3A_4, %add3A_7 : i32
    %mul3A_9 = arith.constant 632 : i32
    %mul3A_10 = arith.muli %arg1, %mul3A_9 : i32
    %mul3A_11 = arith.constant 632 : i32
    %mul3A_12 = arith.muli %arg1, %mul3A_11 : i32
    "tpu.region"() ({
      %run_scoped3A = tpu.sem_alloc : memref<!tpu.dma_semaphore, #tpu.memory_space<semaphore_mem>>
      %dma_start3A_63 = arith.constant 0 : i32
      %dma_start3A_64 = tpu.memref_slice %arg11[%mul3A_12, %dma_start3A_63] : memref<10112x32xf32, #tpu.memory_space<vmem_shared>> -> memref<632x32xf32, #tpu.memory_space<vmem_shared>>
      %dma_start3A_65 = arith.constant 0 : i32
      %dma_start3A_66 = tpu.memref_slice %arg5[%mul3A_10, %dma_start3A_65] : memref<10112x32xf32, #tpu.memory_space<hbm>> -> memref<632x32xf32, #tpu.memory_space<hbm>>
      tpu.enqueue_dma source(%dma_start3A_66 : memref<632x32xf32, #tpu.memory_space<hbm>>) target(%dma_start3A_64 : memref<632x32xf32, #tpu.memory_space<vmem_shared>>) target_semaphore(%run_scoped3A : memref<!tpu.dma_semaphore, #tpu.memory_space<semaphore_mem>>)
      %dma_wait3A = arith.constant 0 : i32
      %dma_wait3A_67 = tpu.memref_slice %arg11[%mul3A_12, %dma_wait3A] : memref<10112x32xf32, #tpu.memory_space<vmem_shared>> -> memref<632x32xf32, #tpu.memory_space<vmem_shared>>
      %dma_wait3A_68 = arith.constant 0 : i32
      %dma_wait3A_69 = tpu.memref_slice %arg5[%mul3A_10, %dma_wait3A_68] : memref<10112x32xf32, #tpu.memory_space<hbm>> -> memref<632x32xf32, #tpu.memory_space<hbm>>
      tpu.wait_dma2 semaphore(%run_scoped3A : memref<!tpu.dma_semaphore, #tpu.memory_space<semaphore_mem>>) src(%dma_wait3A_69 : memref<632x32xf32, #tpu.memory_space<hbm>>) dst(%dma_wait3A_67 : memref<632x32xf32, #tpu.memory_space<vmem_shared>>)
      tpu.yield
    }) : () -> ()
    %mul3A_13 = arith.constant 625 : i32
    %mul3A_14 = arith.muli %arg1, %mul3A_13 : i32
    %mul3A_15 = arith.constant 625 : i32
    %mul3A_16 = arith.muli %arg1, %mul3A_15 : i32
    "tpu.region"() ({
      %run_scoped3A = tpu.sem_alloc : memref<!tpu.dma_semaphore, #tpu.memory_space<semaphore_mem>>
      %dma_start3A_63 = arith.constant 0 : i32
      %dma_start3A_64 = tpu.memref_slice %arg12[%mul3A_16, %dma_start3A_63] : memref<10000x32xf32, #tpu.memory_space<vmem_shared>> -> memref<625x32xf32, #tpu.memory_space<vmem_shared>>
      %dma_start3A_65 = arith.constant 0 : i32
      %dma_start3A_66 = tpu.memref_slice %arg2[%mul3A_14, %dma_start3A_65] : memref<10000x32xf32, #tpu.memory_space<hbm>> -> memref<625x32xf32, #tpu.memory_space<hbm>>
      tpu.enqueue_dma source(%dma_start3A_66 : memref<625x32xf32, #tpu.memory_space<hbm>>) target(%dma_start3A_64 : memref<625x32xf32, #tpu.memory_space<vmem_shared>>) target_semaphore(%run_scoped3A : memref<!tpu.dma_semaphore, #tpu.memory_space<semaphore_mem>>)
      %dma_wait3A = arith.constant 0 : i32
      %dma_wait3A_67 = tpu.memref_slice %arg12[%mul3A_16, %dma_wait3A] : memref<10000x32xf32, #tpu.memory_space<vmem_shared>> -> memref<625x32xf32, #tpu.memory_space<vmem_shared>>
      %dma_wait3A_68 = arith.constant 0 : i32
      %dma_wait3A_69 = tpu.memref_slice %arg2[%mul3A_14, %dma_wait3A_68] : memref<10000x32xf32, #tpu.memory_space<hbm>> -> memref<625x32xf32, #tpu.memory_space<hbm>>
      tpu.wait_dma2 semaphore(%run_scoped3A : memref<!tpu.dma_semaphore, #tpu.memory_space<semaphore_mem>>) src(%dma_wait3A_69 : memref<625x32xf32, #tpu.memory_space<hbm>>) dst(%dma_wait3A_67 : memref<625x32xf32, #tpu.memory_space<vmem_shared>>)
      tpu.yield
    }) : () -> ()
    "tpu.region"() ({
      %run_scoped3A = tpu.sem_alloc : memref<!tpu.dma_semaphore, #tpu.memory_space<semaphore_mem>>
      %dma_start3A_63 = arith.constant 0 : i32
      %dma_start3A_64 = arith.constant 0 : i32
      %dma_start3A_65 = tpu.memref_slice %arg7[%dma_start3A_63, %dma_start3A_64] : memref<56x128xi32, #tpu.memory_space<vmem>> -> memref<24x128xi32, #tpu.memory_space<vmem>>
      %dma_start3A_66 = arith.constant 0 : i32
      %dma_start3A_67 = tpu.memref_slice %arg3[%select_n3A_8, %dma_start3A_66] : memref<1280x128xi32, #tpu.memory_space<hbm>> -> memref<24x128xi32, #tpu.memory_space<hbm>>
      %dma_start3A_68 = arith.constant 0 : i32
      %dma_start3A_69 = arith.constant 0 : i32
      %dma_start3A_70 = tpu.memref_slice %arg7[%dma_start3A_68, %dma_start3A_69] : memref<56x128xi32, #tpu.memory_space<vmem>> -> memref<24x128xi32, #tpu.memory_space<vmem>>
      %dma_start3A_71 = arith.constant 0 : i32
      %dma_start3A_72 = tpu.memref_slice %arg3[%select_n3A_8, %dma_start3A_71] : memref<1280x128xi32, #tpu.memory_space<hbm>> -> memref<24x128xi32, #tpu.memory_space<hbm>>
      tpu.enqueue_dma source(%dma_start3A_72 : memref<24x128xi32, #tpu.memory_space<hbm>>) target(%dma_start3A_70 : memref<24x128xi32, #tpu.memory_space<vmem>>) target_semaphore(%run_scoped3A : memref<!tpu.dma_semaphore, #tpu.memory_space<semaphore_mem>>)
      %dma_wait3A = arith.constant 0 : i32
      %dma_wait3A_73 = arith.constant 0 : i32
      %dma_wait3A_74 = tpu.memref_slice %arg7[%dma_wait3A, %dma_wait3A_73] : memref<56x128xi32, #tpu.memory_space<vmem>> -> memref<24x128xi32, #tpu.memory_space<vmem>>
      %dma_wait3A_75 = arith.constant 0 : i32
      %dma_wait3A_76 = tpu.memref_slice %arg3[%select_n3A_8, %dma_wait3A_75] : memref<1280x128xi32, #tpu.memory_space<hbm>> -> memref<24x128xi32, #tpu.memory_space<hbm>>
      %dma_wait3A_77 = arith.constant 0 : i32
      %dma_wait3A_78 = arith.constant 0 : i32
      %dma_wait3A_79 = tpu.memref_slice %arg7[%dma_wait3A_77, %dma_wait3A_78] : memref<56x128xi32, #tpu.memory_space<vmem>> -> memref<24x128xi32, #tpu.memory_space<vmem>>
      %dma_wait3A_80 = arith.constant 0 : i32
      %dma_wait3A_81 = tpu.memref_slice %arg3[%select_n3A_8, %dma_wait3A_80] : memref<1280x128xi32, #tpu.memory_space<hbm>> -> memref<24x128xi32, #tpu.memory_space<hbm>>
      tpu.wait_dma2 semaphore(%run_scoped3A : memref<!tpu.dma_semaphore, #tpu.memory_space<semaphore_mem>>) src(%dma_wait3A_81 : memref<24x128xi32, #tpu.memory_space<hbm>>) dst(%dma_wait3A_79 : memref<24x128xi32, #tpu.memory_space<vmem>>)
      tpu.yield
    }) : () -> ()
    %eq3A_17 = arith.constant 1 : i32
    %eq3A_18 = arith.cmpi eq, %arg0, %eq3A_17 : i32
    %convert_element_type3A = arith.extui %eq3A_18 : i1 to i32
    %cond3A = arith.constant 0 : i32
    %cond3A_19 = arith.cmpi ne, %convert_element_type3A, %cond3A : i32
    scf.if %cond3A_19 {
      %add3A_63 = arith.constant 24 : i32
      %add3A_64 = arith.addi %select_n3A_8, %add3A_63 : i32
      "tpu.region"() ({
        %run_scoped3A = tpu.sem_alloc : memref<!tpu.dma_semaphore, #tpu.memory_space<semaphore_mem>>
        %dma_start3A_65 = arith.constant 24 : i32
        %dma_start3A_66 = arith.constant 0 : i32
        %dma_start3A_67 = tpu.memref_slice %arg7[%dma_start3A_65, %dma_start3A_66] : memref<56x128xi32, #tpu.memory_space<vmem>> -> memref<32x128xi32, #tpu.memory_space<vmem>>
        %dma_start3A_68 = arith.constant 0 : i32
        %dma_start3A_69 = tpu.memref_slice %arg3[%add3A_64, %dma_start3A_68] : memref<1280x128xi32, #tpu.memory_space<hbm>> -> memref<32x128xi32, #tpu.memory_space<hbm>>
        %dma_start3A_70 = arith.constant 24 : i32
        %dma_start3A_71 = arith.constant 0 : i32
        %dma_start3A_72 = tpu.memref_slice %arg7[%dma_start3A_70, %dma_start3A_71] : memref<56x128xi32, #tpu.memory_space<vmem>> -> memref<32x128xi32, #tpu.memory_space<vmem>>
        %dma_start3A_73 = arith.constant 0 : i32
        %dma_start3A_74 = tpu.memref_slice %arg3[%add3A_64, %dma_start3A_73] : memref<1280x128xi32, #tpu.memory_space<hbm>> -> memref<32x128xi32, #tpu.memory_space<hbm>>
        tpu.enqueue_dma source(%dma_start3A_74 : memref<32x128xi32, #tpu.memory_space<hbm>>) target(%dma_start3A_72 : memref<32x128xi32, #tpu.memory_space<vmem>>) target_semaphore(%run_scoped3A : memref<!tpu.dma_semaphore, #tpu.memory_space<semaphore_mem>>)
        %dma_wait3A = arith.constant 24 : i32
        %dma_wait3A_75 = arith.constant 0 : i32
        %dma_wait3A_76 = tpu.memref_slice %arg7[%dma_wait3A, %dma_wait3A_75] : memref<56x128xi32, #tpu.memory_space<vmem>> -> memref<32x128xi32, #tpu.memory_space<vmem>>
        %dma_wait3A_77 = arith.constant 0 : i32
        %dma_wait3A_78 = tpu.memref_slice %arg3[%add3A_64, %dma_wait3A_77] : memref<1280x128xi32, #tpu.memory_space<hbm>> -> memref<32x128xi32, #tpu.memory_space<hbm>>
        %dma_wait3A_79 = arith.constant 24 : i32
        %dma_wait3A_80 = arith.constant 0 : i32
        %dma_wait3A_81 = tpu.memref_slice %arg7[%dma_wait3A_79, %dma_wait3A_80] : memref<56x128xi32, #tpu.memory_space<vmem>> -> memref<32x128xi32, #tpu.memory_space<vmem>>
        %dma_wait3A_82 = arith.constant 0 : i32
        %dma_wait3A_83 = tpu.memref_slice %arg3[%add3A_64, %dma_wait3A_82] : memref<1280x128xi32, #tpu.memory_space<hbm>> -> memref<32x128xi32, #tpu.memory_space<hbm>>
        tpu.wait_dma2 semaphore(%run_scoped3A : memref<!tpu.dma_semaphore, #tpu.memory_space<semaphore_mem>>) src(%dma_wait3A_83 : memref<32x128xi32, #tpu.memory_space<hbm>>) dst(%dma_wait3A_81 : memref<32x128xi32, #tpu.memory_space<vmem>>)
        tpu.yield
      }) : () -> ()
    } else {
    }
    "tpu.region"() ({
      %run_scoped3A = tpu.sem_alloc : memref<!tpu.dma_semaphore, #tpu.memory_space<semaphore_mem>>
      %dma_start3A_63 = arith.constant 0 : i32
      %dma_start3A_64 = arith.constant 0 : i32
      %dma_start3A_65 = tpu.memref_slice %arg8[%dma_start3A_63, %dma_start3A_64] : memref<56x128xi32, #tpu.memory_space<vmem>> -> memref<24x128xi32, #tpu.memory_space<vmem>>
      %dma_start3A_66 = arith.constant 0 : i32
      %dma_start3A_67 = tpu.memref_slice %arg4[%select_n3A_8, %dma_start3A_66] : memref<1280x128xi32, #tpu.memory_space<hbm>> -> memref<24x128xi32, #tpu.memory_space<hbm>>
      %dma_start3A_68 = arith.constant 0 : i32
      %dma_start3A_69 = arith.constant 0 : i32
      %dma_start3A_70 = tpu.memref_slice %arg8[%dma_start3A_68, %dma_start3A_69] : memref<56x128xi32, #tpu.memory_space<vmem>> -> memref<24x128xi32, #tpu.memory_space<vmem>>
      %dma_start3A_71 = arith.constant 0 : i32
      %dma_start3A_72 = tpu.memref_slice %arg4[%select_n3A_8, %dma_start3A_71] : memref<1280x128xi32, #tpu.memory_space<hbm>> -> memref<24x128xi32, #tpu.memory_space<hbm>>
      tpu.enqueue_dma source(%dma_start3A_72 : memref<24x128xi32, #tpu.memory_space<hbm>>) target(%dma_start3A_70 : memref<24x128xi32, #tpu.memory_space<vmem>>) target_semaphore(%run_scoped3A : memref<!tpu.dma_semaphore, #tpu.memory_space<semaphore_mem>>)
      %dma_wait3A = arith.constant 0 : i32
      %dma_wait3A_73 = arith.constant 0 : i32
      %dma_wait3A_74 = tpu.memref_slice %arg8[%dma_wait3A, %dma_wait3A_73] : memref<56x128xi32, #tpu.memory_space<vmem>> -> memref<24x128xi32, #tpu.memory_space<vmem>>
      %dma_wait3A_75 = arith.constant 0 : i32
      %dma_wait3A_76 = tpu.memref_slice %arg4[%select_n3A_8, %dma_wait3A_75] : memref<1280x128xi32, #tpu.memory_space<hbm>> -> memref<24x128xi32, #tpu.memory_space<hbm>>
      %dma_wait3A_77 = arith.constant 0 : i32
      %dma_wait3A_78 = arith.constant 0 : i32
      %dma_wait3A_79 = tpu.memref_slice %arg8[%dma_wait3A_77, %dma_wait3A_78] : memref<56x128xi32, #tpu.memory_space<vmem>> -> memref<24x128xi32, #tpu.memory_space<vmem>>
      %dma_wait3A_80 = arith.constant 0 : i32
      %dma_wait3A_81 = tpu.memref_slice %arg4[%select_n3A_8, %dma_wait3A_80] : memref<1280x128xi32, #tpu.memory_space<hbm>> -> memref<24x128xi32, #tpu.memory_space<hbm>>
      tpu.wait_dma2 semaphore(%run_scoped3A : memref<!tpu.dma_semaphore, #tpu.memory_space<semaphore_mem>>) src(%dma_wait3A_81 : memref<24x128xi32, #tpu.memory_space<hbm>>) dst(%dma_wait3A_79 : memref<24x128xi32, #tpu.memory_space<vmem>>)
      tpu.yield
    }) : () -> ()
    %eq3A_20 = arith.constant 1 : i32
    %eq3A_21 = arith.cmpi eq, %arg0, %eq3A_20 : i32
    %convert_element_type3A_22 = arith.extui %eq3A_21 : i1 to i32
    %cond3A_23 = arith.constant 0 : i32
    %cond3A_24 = arith.cmpi ne, %convert_element_type3A_22, %cond3A_23 : i32
    scf.if %cond3A_24 {
      %add3A_63 = arith.constant 24 : i32
      %add3A_64 = arith.addi %select_n3A_8, %add3A_63 : i32
      "tpu.region"() ({
        %run_scoped3A = tpu.sem_alloc : memref<!tpu.dma_semaphore, #tpu.memory_space<semaphore_mem>>
        %dma_start3A_65 = arith.constant 24 : i32
        %dma_start3A_66 = arith.constant 0 : i32
        %dma_start3A_67 = tpu.memref_slice %arg8[%dma_start3A_65, %dma_start3A_66] : memref<56x128xi32, #tpu.memory_space<vmem>> -> memref<32x128xi32, #tpu.memory_space<vmem>>
        %dma_start3A_68 = arith.constant 0 : i32
        %dma_start3A_69 = tpu.memref_slice %arg4[%add3A_64, %dma_start3A_68] : memref<1280x128xi32, #tpu.memory_space<hbm>> -> memref<32x128xi32, #tpu.memory_space<hbm>>
        %dma_start3A_70 = arith.constant 24 : i32
        %dma_start3A_71 = arith.constant 0 : i32
        %dma_start3A_72 = tpu.memref_slice %arg8[%dma_start3A_70, %dma_start3A_71] : memref<56x128xi32, #tpu.memory_space<vmem>> -> memref<32x128xi32, #tpu.memory_space<vmem>>
        %dma_start3A_73 = arith.constant 0 : i32
        %dma_start3A_74 = tpu.memref_slice %arg4[%add3A_64, %dma_start3A_73] : memref<1280x128xi32, #tpu.memory_space<hbm>> -> memref<32x128xi32, #tpu.memory_space<hbm>>
        tpu.enqueue_dma source(%dma_start3A_74 : memref<32x128xi32, #tpu.memory_space<hbm>>) target(%dma_start3A_72 : memref<32x128xi32, #tpu.memory_space<vmem>>) target_semaphore(%run_scoped3A : memref<!tpu.dma_semaphore, #tpu.memory_space<semaphore_mem>>)
        %dma_wait3A = arith.constant 24 : i32
        %dma_wait3A_75 = arith.constant 0 : i32
        %dma_wait3A_76 = tpu.memref_slice %arg8[%dma_wait3A, %dma_wait3A_75] : memref<56x128xi32, #tpu.memory_space<vmem>> -> memref<32x128xi32, #tpu.memory_space<vmem>>
        %dma_wait3A_77 = arith.constant 0 : i32
        %dma_wait3A_78 = tpu.memref_slice %arg4[%add3A_64, %dma_wait3A_77] : memref<1280x128xi32, #tpu.memory_space<hbm>> -> memref<32x128xi32, #tpu.memory_space<hbm>>
        %dma_wait3A_79 = arith.constant 24 : i32
        %dma_wait3A_80 = arith.constant 0 : i32
        %dma_wait3A_81 = tpu.memref_slice %arg8[%dma_wait3A_79, %dma_wait3A_80] : memref<56x128xi32, #tpu.memory_space<vmem>> -> memref<32x128xi32, #tpu.memory_space<vmem>>
        %dma_wait3A_82 = arith.constant 0 : i32
        %dma_wait3A_83 = tpu.memref_slice %arg4[%add3A_64, %dma_wait3A_82] : memref<1280x128xi32, #tpu.memory_space<hbm>> -> memref<32x128xi32, #tpu.memory_space<hbm>>
        tpu.wait_dma2 semaphore(%run_scoped3A : memref<!tpu.dma_semaphore, #tpu.memory_space<semaphore_mem>>) src(%dma_wait3A_83 : memref<32x128xi32, #tpu.memory_space<hbm>>) dst(%dma_wait3A_81 : memref<32x128xi32, #tpu.memory_space<vmem>>)
        tpu.yield
      }) : () -> ()
    } else {
    }
    %barrier3A = arith.constant 0 : index
    tpu.barrier barrier_id(%barrier3A)
    %dma_start3A = arith.constant 0 : i32
    %dma_start3A_25 = arith.constant 0 : i32
    %dma_start3A_26 = tpu.memref_slice %arg7[%dma_start3A, %dma_start3A_25] : memref<56x128xi32, #tpu.memory_space<vmem>> -> memref<1x128xi32, #tpu.memory_space<vmem>>
    %dma_start3A_27 = tpu.memref_squeeze %dma_start3A_26 : memref<1x128xi32, #tpu.memory_space<vmem>> -> memref<128xi32, #tpu.memory_space<vmem>>
    %dma_start3A_28 = arith.constant 0 : i32
    %dma_start3A_29 = arith.constant 0 : i32
    %dma_start3A_30 = tpu.memref_slice %arg12[%dma_start3A_28, %dma_start3A_29] : memref<10000x32xf32, #tpu.memory_space<vmem_shared>> -> memref<10000x32xf32, #tpu.memory_space<vmem_shared>>
    tpu.enqueue_indirect_dma source(%dma_start3A_30 : memref<10000x32xf32, #tpu.memory_space<vmem_shared>>) target(%arg9 : memref<128x32xf32, #tpu.memory_space<vmem>>) offsets(%dma_start3A_27 : memref<128xi32, #tpu.memory_space<vmem>>) semaphore(%arg13 : memref<!tpu.dma_semaphore, #tpu.memory_space<semaphore_mem>>)
    %jit3A_31 = arith.constant 2 : i32
    %div3A = arith.divsi %select_n3A, %jit3A_31 : i32
    %sign3A = arith.constant 0 : i32
    %sign3A_32 = arith.cmpi sgt, %select_n3A, %sign3A : i32
    %sign3A_33 = arith.extui %sign3A_32 : i1 to i32
    %sign3A_34 = arith.constant 0 : i32
    %sign3A_35 = arith.cmpi slt, %select_n3A, %sign3A_34 : i32
    %sign3A_36 = arith.extui %sign3A_35 : i1 to i32
    %sign3A_37 = arith.subi %sign3A_33, %sign3A_36 : i32
    %sign3A_38 = arith.constant 0 : i32
    %sign3A_39 = arith.cmpi sgt, %jit3A_31, %sign3A_38 : i32
    %sign3A_40 = arith.extui %sign3A_39 : i1 to i32
    %sign3A_41 = arith.constant 0 : i32
    %sign3A_42 = arith.cmpi slt, %jit3A_31, %sign3A_41 : i32
    %sign3A_43 = arith.extui %sign3A_42 : i1 to i32
    %sign3A_44 = arith.subi %sign3A_40, %sign3A_43 : i32
    %ne3A = arith.cmpi ne, %sign3A_37, %sign3A_44 : i32
    %rem3A = arith.remsi %select_n3A, %jit3A_31 : i32
    %ne3A_45 = arith.constant 0 : i32
    %ne3A_46 = arith.cmpi ne, %rem3A, %ne3A_45 : i32
    %and3A = arith.andi %ne3A, %ne3A_46 : i1
    %sub3A = arith.constant 1 : i32
    %sub3A_47 = arith.subi %div3A, %sub3A : i32
    %select_n3A_48 = arith.select %and3A, %sub3A_47, %div3A : i32
    %while3A = arith.constant 0 : i32
    %while3A_49 = arith.constant 0 : i32
    %while3A_50 = arith.subi %select_n3A_48, %while3A_49 : i32
    %while3A_51 = arith.addi %while3A_49, %while3A_50 : i32
    %while3A_52 = arith.constant 1 : i32
    %while3A_53 = arith.divsi %while3A_50, %while3A_52 : i32
    %while3A_54 = arith.muli %while3A_53, %while3A_52 : i32
    %while3A_55 = arith.addi %while3A_49, %while3A_54 : i32
    %while3A_56 = arith.constant 1 : i32
    scf.for %while3A_63 = %while3A_49 to %while3A_55 step %while3A_56  : i32 {
      %mul3A_64 = arith.constant 2 : i32
      %mul3A_65 = arith.muli %mul3A_64, %while3A_63 : i32
      %add3A_66 = arith.constant 1 : i32
      %add3A_67 = arith.addi %mul3A_65, %add3A_66 : i32
      %dma_start3A_68 = arith.constant 0 : i32
      %dma_start3A_69 = tpu.memref_slice %arg7[%add3A_67, %dma_start3A_68] : memref<56x128xi32, #tpu.memory_space<vmem>> -> memref<1x128xi32, #tpu.memory_space<vmem>>
      %dma_start3A_70 = tpu.memref_squeeze %dma_start3A_69 : memref<1x128xi32, #tpu.memory_space<vmem>> -> memref<128xi32, #tpu.memory_space<vmem>>
      %dma_start3A_71 = arith.constant 0 : i32
      %dma_start3A_72 = arith.constant 0 : i32
      %dma_start3A_73 = tpu.memref_slice %arg12[%dma_start3A_71, %dma_start3A_72] : memref<10000x32xf32, #tpu.memory_space<vmem_shared>> -> memref<10000x32xf32, #tpu.memory_space<vmem_shared>>
      tpu.enqueue_indirect_dma source(%dma_start3A_73 : memref<10000x32xf32, #tpu.memory_space<vmem_shared>>) target(%arg10 : memref<128x32xf32, #tpu.memory_space<vmem>>) offsets(%dma_start3A_70 : memref<128xi32, #tpu.memory_space<vmem>>) semaphore(%arg14 : memref<!tpu.dma_semaphore, #tpu.memory_space<semaphore_mem>>)
      %dma_wait3A = arith.constant 0 : i32
      %dma_wait3A_74 = tpu.memref_slice %arg7[%mul3A_65, %dma_wait3A] : memref<56x128xi32, #tpu.memory_space<vmem>> -> memref<1x128xi32, #tpu.memory_space<vmem>>
      %dma_wait3A_75 = tpu.memref_squeeze %dma_wait3A_74 : memref<1x128xi32, #tpu.memory_space<vmem>> -> memref<128xi32, #tpu.memory_space<vmem>>
      %dma_wait3A_76 = arith.constant 0 : i32
      %dma_wait3A_77 = arith.constant 0 : i32
      %dma_wait3A_78 = tpu.memref_slice %arg12[%dma_wait3A_76, %dma_wait3A_77] : memref<10000x32xf32, #tpu.memory_space<vmem_shared>> -> memref<10000x32xf32, #tpu.memory_space<vmem_shared>>
      tpu.wait_indirect_dma semaphore(%arg13 : memref<!tpu.dma_semaphore, #tpu.memory_space<semaphore_mem>>) src(%dma_wait3A_78 : memref<10000x32xf32, #tpu.memory_space<vmem_shared>>) dst(%arg9 : memref<128x32xf32, #tpu.memory_space<vmem>>)
      "tpu.region"() ({
        %run_scoped3A = tpu.sem_alloc : memref<!tpu.dma_semaphore, #tpu.memory_space<semaphore_mem>>
        %dma_start3A_94 = arith.constant 0 : i32
        %dma_start3A_95 = tpu.memref_slice %arg8[%mul3A_65, %dma_start3A_94] : memref<56x128xi32, #tpu.memory_space<vmem>> -> memref<1x128xi32, #tpu.memory_space<vmem>>
        %dma_start3A_96 = tpu.memref_squeeze %dma_start3A_95 : memref<1x128xi32, #tpu.memory_space<vmem>> -> memref<128xi32, #tpu.memory_space<vmem>>
        %dma_start3A_97 = arith.constant 0 : i32
        %dma_start3A_98 = arith.constant 0 : i32
        %dma_start3A_99 = tpu.memref_slice %arg11[%dma_start3A_97, %dma_start3A_98] : memref<10112x32xf32, #tpu.memory_space<vmem_shared>> -> memref<10112x32xf32, #tpu.memory_space<vmem_shared>>
        tpu.enqueue_indirect_dma source(%arg9 : memref<128x32xf32, #tpu.memory_space<vmem>>) target(%dma_start3A_99 : memref<10112x32xf32, #tpu.memory_space<vmem_shared>>) offsets(%dma_start3A_96 : memref<128xi32, #tpu.memory_space<vmem>>) semaphore(%run_scoped3A : memref<!tpu.dma_semaphore, #tpu.memory_space<semaphore_mem>>) {add = true}
        %dma_wait3A_100 = arith.constant 0 : i32
        %dma_wait3A_101 = tpu.memref_slice %arg8[%mul3A_65, %dma_wait3A_100] : memref<56x128xi32, #tpu.memory_space<vmem>> -> memref<1x128xi32, #tpu.memory_space<vmem>>
        %dma_wait3A_102 = tpu.memref_squeeze %dma_wait3A_101 : memref<1x128xi32, #tpu.memory_space<vmem>> -> memref<128xi32, #tpu.memory_space<vmem>>
        %dma_wait3A_103 = arith.constant 0 : i32
        %dma_wait3A_104 = arith.constant 0 : i32
        %dma_wait3A_105 = tpu.memref_slice %arg11[%dma_wait3A_103, %dma_wait3A_104] : memref<10112x32xf32, #tpu.memory_space<vmem_shared>> -> memref<10112x32xf32, #tpu.memory_space<vmem_shared>>
        tpu.wait_indirect_dma semaphore(%run_scoped3A : memref<!tpu.dma_semaphore, #tpu.memory_space<semaphore_mem>>) src(%arg9 : memref<128x32xf32, #tpu.memory_space<vmem>>) dst(%dma_wait3A_105 : memref<10112x32xf32, #tpu.memory_space<vmem_shared>>)
        tpu.yield
      }) : () -> ()
      %add3A_79 = arith.constant 2 : i32
      %add3A_80 = arith.addi %mul3A_65, %add3A_79 : i32
      %lt3A = arith.cmpi slt, %add3A_80, %select_n3A : i32
      %convert_element_type3A_81 = arith.extui %lt3A : i1 to i32
      %cond3A_82 = arith.constant 0 : i32
      %cond3A_83 = arith.cmpi ne, %convert_element_type3A_81, %cond3A_82 : i32
      scf.if %cond3A_83 {
        %add3A_94 = arith.constant 2 : i32
        %add3A_95 = arith.addi %mul3A_65, %add3A_94 : i32
        %dma_start3A_96 = arith.constant 0 : i32
        %dma_start3A_97 = tpu.memref_slice %arg7[%add3A_95, %dma_start3A_96] : memref<56x128xi32, #tpu.memory_space<vmem>> -> memref<1x128xi32, #tpu.memory_space<vmem>>
        %dma_start3A_98 = tpu.memref_squeeze %dma_start3A_97 : memref<1x128xi32, #tpu.memory_space<vmem>> -> memref<128xi32, #tpu.memory_space<vmem>>
        %dma_start3A_99 = arith.constant 0 : i32
        %dma_start3A_100 = arith.constant 0 : i32
        %dma_start3A_101 = tpu.memref_slice %arg12[%dma_start3A_99, %dma_start3A_100] : memref<10000x32xf32, #tpu.memory_space<vmem_shared>> -> memref<10000x32xf32, #tpu.memory_space<vmem_shared>>
        tpu.enqueue_indirect_dma source(%dma_start3A_101 : memref<10000x32xf32, #tpu.memory_space<vmem_shared>>) target(%arg9 : memref<128x32xf32, #tpu.memory_space<vmem>>) offsets(%dma_start3A_98 : memref<128xi32, #tpu.memory_space<vmem>>) semaphore(%arg13 : memref<!tpu.dma_semaphore, #tpu.memory_space<semaphore_mem>>)
      } else {
      }
      %add3A_84 = arith.constant 1 : i32
      %add3A_85 = arith.addi %mul3A_65, %add3A_84 : i32
      %dma_wait3A_86 = arith.constant 0 : i32
      %dma_wait3A_87 = tpu.memref_slice %arg7[%add3A_85, %dma_wait3A_86] : memref<56x128xi32, #tpu.memory_space<vmem>> -> memref<1x128xi32, #tpu.memory_space<vmem>>
      %dma_wait3A_88 = tpu.memref_squeeze %dma_wait3A_87 : memref<1x128xi32, #tpu.memory_space<vmem>> -> memref<128xi32, #tpu.memory_space<vmem>>
      %dma_wait3A_89 = arith.constant 0 : i32
      %dma_wait3A_90 = arith.constant 0 : i32
      %dma_wait3A_91 = tpu.memref_slice %arg12[%dma_wait3A_89, %dma_wait3A_90] : memref<10000x32xf32, #tpu.memory_space<vmem_shared>> -> memref<10000x32xf32, #tpu.memory_space<vmem_shared>>
      tpu.wait_indirect_dma semaphore(%arg14 : memref<!tpu.dma_semaphore, #tpu.memory_space<semaphore_mem>>) src(%dma_wait3A_91 : memref<10000x32xf32, #tpu.memory_space<vmem_shared>>) dst(%arg10 : memref<128x32xf32, #tpu.memory_space<vmem>>)
      %add3A_92 = arith.constant 1 : i32
      %add3A_93 = arith.addi %mul3A_65, %add3A_92 : i32
      "tpu.region"() ({
        %run_scoped3A = tpu.sem_alloc : memref<!tpu.dma_semaphore, #tpu.memory_space<semaphore_mem>>
        %dma_start3A_94 = arith.constant 0 : i32
        %dma_start3A_95 = tpu.memref_slice %arg8[%add3A_93, %dma_start3A_94] : memref<56x128xi32, #tpu.memory_space<vmem>> -> memref<1x128xi32, #tpu.memory_space<vmem>>
        %dma_start3A_96 = tpu.memref_squeeze %dma_start3A_95 : memref<1x128xi32, #tpu.memory_space<vmem>> -> memref<128xi32, #tpu.memory_space<vmem>>
        %dma_start3A_97 = arith.constant 0 : i32
        %dma_start3A_98 = arith.constant 0 : i32
        %dma_start3A_99 = tpu.memref_slice %arg11[%dma_start3A_97, %dma_start3A_98] : memref<10112x32xf32, #tpu.memory_space<vmem_shared>> -> memref<10112x32xf32, #tpu.memory_space<vmem_shared>>
        tpu.enqueue_indirect_dma source(%arg10 : memref<128x32xf32, #tpu.memory_space<vmem>>) target(%dma_start3A_99 : memref<10112x32xf32, #tpu.memory_space<vmem_shared>>) offsets(%dma_start3A_96 : memref<128xi32, #tpu.memory_space<vmem>>) semaphore(%run_scoped3A : memref<!tpu.dma_semaphore, #tpu.memory_space<semaphore_mem>>) {add = true}
        %dma_wait3A_100 = arith.constant 0 : i32
        %dma_wait3A_101 = tpu.memref_slice %arg8[%add3A_93, %dma_wait3A_100] : memref<56x128xi32, #tpu.memory_space<vmem>> -> memref<1x128xi32, #tpu.memory_space<vmem>>
        %dma_wait3A_102 = tpu.memref_squeeze %dma_wait3A_101 : memref<1x128xi32, #tpu.memory_space<vmem>> -> memref<128xi32, #tpu.memory_space<vmem>>
        %dma_wait3A_103 = arith.constant 0 : i32
        %dma_wait3A_104 = arith.constant 0 : i32
        %dma_wait3A_105 = tpu.memref_slice %arg11[%dma_wait3A_103, %dma_wait3A_104] : memref<10112x32xf32, #tpu.memory_space<vmem_shared>> -> memref<10112x32xf32, #tpu.memory_space<vmem_shared>>
        tpu.wait_indirect_dma semaphore(%run_scoped3A : memref<!tpu.dma_semaphore, #tpu.memory_space<semaphore_mem>>) src(%arg10 : memref<128x32xf32, #tpu.memory_space<vmem>>) dst(%dma_wait3A_105 : memref<10112x32xf32, #tpu.memory_space<vmem_shared>>)
        tpu.yield
      }) : () -> ()
    }
    %while3A_57 = arith.constant 1 : i32
    scf.for %while3A_63 = %while3A_55 to %while3A_51 step %while3A_57  : i32 {
      %mul3A_64 = arith.constant 2 : i32
      %mul3A_65 = arith.muli %mul3A_64, %while3A_63 : i32
      %add3A_66 = arith.constant 1 : i32
      %add3A_67 = arith.addi %mul3A_65, %add3A_66 : i32
      %dma_start3A_68 = arith.constant 0 : i32
      %dma_start3A_69 = tpu.memref_slice %arg7[%add3A_67, %dma_start3A_68] : memref<56x128xi32, #tpu.memory_space<vmem>> -> memref<1x128xi32, #tpu.memory_space<vmem>>
      %dma_start3A_70 = tpu.memref_squeeze %dma_start3A_69 : memref<1x128xi32, #tpu.memory_space<vmem>> -> memref<128xi32, #tpu.memory_space<vmem>>
      %dma_start3A_71 = arith.constant 0 : i32
      %dma_start3A_72 = arith.constant 0 : i32
      %dma_start3A_73 = tpu.memref_slice %arg12[%dma_start3A_71, %dma_start3A_72] : memref<10000x32xf32, #tpu.memory_space<vmem_shared>> -> memref<10000x32xf32, #tpu.memory_space<vmem_shared>>
      tpu.enqueue_indirect_dma source(%dma_start3A_73 : memref<10000x32xf32, #tpu.memory_space<vmem_shared>>) target(%arg10 : memref<128x32xf32, #tpu.memory_space<vmem>>) offsets(%dma_start3A_70 : memref<128xi32, #tpu.memory_space<vmem>>) semaphore(%arg14 : memref<!tpu.dma_semaphore, #tpu.memory_space<semaphore_mem>>)
      %dma_wait3A = arith.constant 0 : i32
      %dma_wait3A_74 = tpu.memref_slice %arg7[%mul3A_65, %dma_wait3A] : memref<56x128xi32, #tpu.memory_space<vmem>> -> memref<1x128xi32, #tpu.memory_space<vmem>>
      %dma_wait3A_75 = tpu.memref_squeeze %dma_wait3A_74 : memref<1x128xi32, #tpu.memory_space<vmem>> -> memref<128xi32, #tpu.memory_space<vmem>>
      %dma_wait3A_76 = arith.constant 0 : i32
      %dma_wait3A_77 = arith.constant 0 : i32
      %dma_wait3A_78 = tpu.memref_slice %arg12[%dma_wait3A_76, %dma_wait3A_77] : memref<10000x32xf32, #tpu.memory_space<vmem_shared>> -> memref<10000x32xf32, #tpu.memory_space<vmem_shared>>
      tpu.wait_indirect_dma semaphore(%arg13 : memref<!tpu.dma_semaphore, #tpu.memory_space<semaphore_mem>>) src(%dma_wait3A_78 : memref<10000x32xf32, #tpu.memory_space<vmem_shared>>) dst(%arg9 : memref<128x32xf32, #tpu.memory_space<vmem>>)
      "tpu.region"() ({
        %run_scoped3A = tpu.sem_alloc : memref<!tpu.dma_semaphore, #tpu.memory_space<semaphore_mem>>
        %dma_start3A_94 = arith.constant 0 : i32
        %dma_start3A_95 = tpu.memref_slice %arg8[%mul3A_65, %dma_start3A_94] : memref<56x128xi32, #tpu.memory_space<vmem>> -> memref<1x128xi32, #tpu.memory_space<vmem>>
        %dma_start3A_96 = tpu.memref_squeeze %dma_start3A_95 : memref<1x128xi32, #tpu.memory_space<vmem>> -> memref<128xi32, #tpu.memory_space<vmem>>
        %dma_start3A_97 = arith.constant 0 : i32
        %dma_start3A_98 = arith.constant 0 : i32
        %dma_start3A_99 = tpu.memref_slice %arg11[%dma_start3A_97, %dma_start3A_98] : memref<10112x32xf32, #tpu.memory_space<vmem_shared>> -> memref<10112x32xf32, #tpu.memory_space<vmem_shared>>
        tpu.enqueue_indirect_dma source(%arg9 : memref<128x32xf32, #tpu.memory_space<vmem>>) target(%dma_start3A_99 : memref<10112x32xf32, #tpu.memory_space<vmem_shared>>) offsets(%dma_start3A_96 : memref<128xi32, #tpu.memory_space<vmem>>) semaphore(%run_scoped3A : memref<!tpu.dma_semaphore, #tpu.memory_space<semaphore_mem>>) {add = true}
        %dma_wait3A_100 = arith.constant 0 : i32
        %dma_wait3A_101 = tpu.memref_slice %arg8[%mul3A_65, %dma_wait3A_100] : memref<56x128xi32, #tpu.memory_space<vmem>> -> memref<1x128xi32, #tpu.memory_space<vmem>>
        %dma_wait3A_102 = tpu.memref_squeeze %dma_wait3A_101 : memref<1x128xi32, #tpu.memory_space<vmem>> -> memref<128xi32, #tpu.memory_space<vmem>>
        %dma_wait3A_103 = arith.constant 0 : i32
        %dma_wait3A_104 = arith.constant 0 : i32
        %dma_wait3A_105 = tpu.memref_slice %arg11[%dma_wait3A_103, %dma_wait3A_104] : memref<10112x32xf32, #tpu.memory_space<vmem_shared>> -> memref<10112x32xf32, #tpu.memory_space<vmem_shared>>
        tpu.wait_indirect_dma semaphore(%run_scoped3A : memref<!tpu.dma_semaphore, #tpu.memory_space<semaphore_mem>>) src(%arg9 : memref<128x32xf32, #tpu.memory_space<vmem>>) dst(%dma_wait3A_105 : memref<10112x32xf32, #tpu.memory_space<vmem_shared>>)
        tpu.yield
      }) : () -> ()
      %add3A_79 = arith.constant 2 : i32
      %add3A_80 = arith.addi %mul3A_65, %add3A_79 : i32
      %lt3A = arith.cmpi slt, %add3A_80, %select_n3A : i32
      %convert_element_type3A_81 = arith.extui %lt3A : i1 to i32
      %cond3A_82 = arith.constant 0 : i32
      %cond3A_83 = arith.cmpi ne, %convert_element_type3A_81, %cond3A_82 : i32
      scf.if %cond3A_83 {
        %add3A_94 = arith.constant 2 : i32
        %add3A_95 = arith.addi %mul3A_65, %add3A_94 : i32
        %dma_start3A_96 = arith.constant 0 : i32
        %dma_start3A_97 = tpu.memref_slice %arg7[%add3A_95, %dma_start3A_96] : memref<56x128xi32, #tpu.memory_space<vmem>> -> memref<1x128xi32, #tpu.memory_space<vmem>>
        %dma_start3A_98 = tpu.memref_squeeze %dma_start3A_97 : memref<1x128xi32, #tpu.memory_space<vmem>> -> memref<128xi32, #tpu.memory_space<vmem>>
        %dma_start3A_99 = arith.constant 0 : i32
        %dma_start3A_100 = arith.constant 0 : i32
        %dma_start3A_101 = tpu.memref_slice %arg12[%dma_start3A_99, %dma_start3A_100] : memref<10000x32xf32, #tpu.memory_space<vmem_shared>> -> memref<10000x32xf32, #tpu.memory_space<vmem_shared>>
        tpu.enqueue_indirect_dma source(%dma_start3A_101 : memref<10000x32xf32, #tpu.memory_space<vmem_shared>>) target(%arg9 : memref<128x32xf32, #tpu.memory_space<vmem>>) offsets(%dma_start3A_98 : memref<128xi32, #tpu.memory_space<vmem>>) semaphore(%arg13 : memref<!tpu.dma_semaphore, #tpu.memory_space<semaphore_mem>>)
      } else {
      }
      %add3A_84 = arith.constant 1 : i32
      %add3A_85 = arith.addi %mul3A_65, %add3A_84 : i32
      %dma_wait3A_86 = arith.constant 0 : i32
      %dma_wait3A_87 = tpu.memref_slice %arg7[%add3A_85, %dma_wait3A_86] : memref<56x128xi32, #tpu.memory_space<vmem>> -> memref<1x128xi32, #tpu.memory_space<vmem>>
      %dma_wait3A_88 = tpu.memref_squeeze %dma_wait3A_87 : memref<1x128xi32, #tpu.memory_space<vmem>> -> memref<128xi32, #tpu.memory_space<vmem>>
      %dma_wait3A_89 = arith.constant 0 : i32
      %dma_wait3A_90 = arith.constant 0 : i32
      %dma_wait3A_91 = tpu.memref_slice %arg12[%dma_wait3A_89, %dma_wait3A_90] : memref<10000x32xf32, #tpu.memory_space<vmem_shared>> -> memref<10000x32xf32, #tpu.memory_space<vmem_shared>>
      tpu.wait_indirect_dma semaphore(%arg14 : memref<!tpu.dma_semaphore, #tpu.memory_space<semaphore_mem>>) src(%dma_wait3A_91 : memref<10000x32xf32, #tpu.memory_space<vmem_shared>>) dst(%arg10 : memref<128x32xf32, #tpu.memory_space<vmem>>)
      %add3A_92 = arith.constant 1 : i32
      %add3A_93 = arith.addi %mul3A_65, %add3A_92 : i32
      "tpu.region"() ({
        %run_scoped3A = tpu.sem_alloc : memref<!tpu.dma_semaphore, #tpu.memory_space<semaphore_mem>>
        %dma_start3A_94 = arith.constant 0 : i32
        %dma_start3A_95 = tpu.memref_slice %arg8[%add3A_93, %dma_start3A_94] : memref<56x128xi32, #tpu.memory_space<vmem>> -> memref<1x128xi32, #tpu.memory_space<vmem>>
        %dma_start3A_96 = tpu.memref_squeeze %dma_start3A_95 : memref<1x128xi32, #tpu.memory_space<vmem>> -> memref<128xi32, #tpu.memory_space<vmem>>
        %dma_start3A_97 = arith.constant 0 : i32
        %dma_start3A_98 = arith.constant 0 : i32
        %dma_start3A_99 = tpu.memref_slice %arg11[%dma_start3A_97, %dma_start3A_98] : memref<10112x32xf32, #tpu.memory_space<vmem_shared>> -> memref<10112x32xf32, #tpu.memory_space<vmem_shared>>
        tpu.enqueue_indirect_dma source(%arg10 : memref<128x32xf32, #tpu.memory_space<vmem>>) target(%dma_start3A_99 : memref<10112x32xf32, #tpu.memory_space<vmem_shared>>) offsets(%dma_start3A_96 : memref<128xi32, #tpu.memory_space<vmem>>) semaphore(%run_scoped3A : memref<!tpu.dma_semaphore, #tpu.memory_space<semaphore_mem>>) {add = true}
        %dma_wait3A_100 = arith.constant 0 : i32
        %dma_wait3A_101 = tpu.memref_slice %arg8[%add3A_93, %dma_wait3A_100] : memref<56x128xi32, #tpu.memory_space<vmem>> -> memref<1x128xi32, #tpu.memory_space<vmem>>
        %dma_wait3A_102 = tpu.memref_squeeze %dma_wait3A_101 : memref<1x128xi32, #tpu.memory_space<vmem>> -> memref<128xi32, #tpu.memory_space<vmem>>
        %dma_wait3A_103 = arith.constant 0 : i32
        %dma_wait3A_104 = arith.constant 0 : i32
        %dma_wait3A_105 = tpu.memref_slice %arg11[%dma_wait3A_103, %dma_wait3A_104] : memref<10112x32xf32, #tpu.memory_space<vmem_shared>> -> memref<10112x32xf32, #tpu.memory_space<vmem_shared>>
        tpu.wait_indirect_dma semaphore(%run_scoped3A : memref<!tpu.dma_semaphore, #tpu.memory_space<semaphore_mem>>) src(%arg10 : memref<128x32xf32, #tpu.memory_space<vmem>>) dst(%dma_wait3A_105 : memref<10112x32xf32, #tpu.memory_space<vmem_shared>>)
        tpu.yield
      }) : () -> ()
    }
    %barrier3A_58 = arith.constant 0 : index
    tpu.barrier barrier_id(%barrier3A_58)
    %mul3A_59 = arith.constant 632 : i32
    %mul3A_60 = arith.muli %arg1, %mul3A_59 : i32
    %mul3A_61 = arith.constant 632 : i32
    %mul3A_62 = arith.muli %arg1, %mul3A_61 : i32
    "tpu.region"() ({
      %run_scoped3A = tpu.sem_alloc : memref<!tpu.dma_semaphore, #tpu.memory_space<semaphore_mem>>
      %dma_start3A_63 = arith.constant 0 : i32
      %dma_start3A_64 = tpu.memref_slice %arg6[%arg0, %mul3A_62, %dma_start3A_63] : memref<2x10112x32xf32, #tpu.memory_space<hbm>> -> memref<1x632x32xf32, #tpu.memory_space<hbm>>
      %dma_start3A_65 = tpu.memref_squeeze %dma_start3A_64 : memref<1x632x32xf32, #tpu.memory_space<hbm>> -> memref<632x32xf32, #tpu.memory_space<hbm>>
      %dma_start3A_66 = arith.constant 0 : i32
      %dma_start3A_67 = tpu.memref_slice %arg11[%mul3A_60, %dma_start3A_66] : memref<10112x32xf32, #tpu.memory_space<vmem_shared>> -> memref<632x32xf32, #tpu.memory_space<vmem_shared>>
      tpu.enqueue_dma source(%dma_start3A_67 : memref<632x32xf32, #tpu.memory_space<vmem_shared>>) target(%dma_start3A_65 : memref<632x32xf32, #tpu.memory_space<hbm>>) target_semaphore(%run_scoped3A : memref<!tpu.dma_semaphore, #tpu.memory_space<semaphore_mem>>)
      %dma_wait3A = arith.constant 0 : i32
      %dma_wait3A_68 = tpu.memref_slice %arg6[%arg0, %mul3A_62, %dma_wait3A] : memref<2x10112x32xf32, #tpu.memory_space<hbm>> -> memref<1x632x32xf32, #tpu.memory_space<hbm>>
      %dma_wait3A_69 = tpu.memref_squeeze %dma_wait3A_68 : memref<1x632x32xf32, #tpu.memory_space<hbm>> -> memref<632x32xf32, #tpu.memory_space<hbm>>
      %dma_wait3A_70 = arith.constant 0 : i32
      %dma_wait3A_71 = tpu.memref_slice %arg11[%mul3A_60, %dma_wait3A_70] : memref<10112x32xf32, #tpu.memory_space<vmem_shared>> -> memref<632x32xf32, #tpu.memory_space<vmem_shared>>
      tpu.wait_dma2 semaphore(%run_scoped3A : memref<!tpu.dma_semaphore, #tpu.memory_space<semaphore_mem>>) src(%dma_wait3A_71 : memref<632x32xf32, #tpu.memory_space<vmem_shared>>) dst(%dma_wait3A_69 : memref<632x32xf32, #tpu.memory_space<hbm>>)
      tpu.yield
    }) : () -> ()
    return
  }
}

module attributes {stable_mosaic.version = 14 : i64} {
  func.func @_prologue1_body(%arg0: memref<10000x256xf32, #tpu.memory_space<vmem>>, %arg1: memref<256x16xf32, #tpu.memory_space<vmem>>, %arg2: memref<1x16xf32, #tpu.memory_space<vmem>>, %arg3: memref<32x1xf32, #tpu.memory_space<vmem>>, %arg4: memref<1x1xf32, #tpu.memory_space<vmem>>, %arg5: memref<10000x48xf32, #tpu.memory_space<vmem>>) attributes {dimension_semantics = [], scalar_prefetch = 0 : i64, scratch_operands = 0 : i64, tpu.core_type = #tpu.core_type<tc>} {
    %get3A = arith.constant 0 : index
    %get3A_0 = arith.constant 0 : index
    %get3A_1 = vector.load %arg0[%get3A, %get3A_0] : memref<10000x256xf32, #tpu.memory_space<vmem>>, vector<10000x256xf32>
    %get3A_2 = arith.constant 0 : index
    %get3A_3 = arith.constant 0 : index
    %get3A_4 = vector.load %arg1[%get3A_2, %get3A_3] : memref<256x16xf32, #tpu.memory_space<vmem>>, vector<256x16xf32>
    %dot_general3A = arith.constant dense<0.000000e+00> : vector<10000x16xf32>
    %dot_general3A_5 = tpu.matmul %get3A_1, %get3A_4, %dot_general3A {dimension_numbers = #tpu.dot_dimension_numbers<[1], [0], [0], [1], [0, 0, 1, 1], [], []>, transpose_lhs_hint = false} : vector<10000x256xf32>, vector<256x16xf32>, vector<10000x16xf32> -> vector<10000x16xf32>
    %get3A_6 = arith.constant 0 : index
    %get3A_7 = arith.constant 0 : index
    %get3A_8 = vector.load %arg2[%get3A_6, %get3A_7] : memref<1x16xf32, #tpu.memory_space<vmem>>, vector<1x16xf32>
    %add3A = vector.broadcast %get3A_8 : vector<1x16xf32> to vector<10000x16xf32>
    %add3A_9 = arith.addf %dot_general3A_5, %add3A : vector<10000x16xf32>
    %get3A_10 = arith.constant 0 : index
    %get3A_11 = arith.constant 0 : index
    %get3A_12 = vector.load %arg3[%get3A_10, %get3A_11] : memref<32x1xf32, #tpu.memory_space<vmem>>, vector<16x1xf32>
    %dot_general3A_13 = arith.constant dense<0.000000e+00> : vector<10000x1xf32>
    %dot_general3A_14 = tpu.matmul %add3A_9, %get3A_12, %dot_general3A_13 {dimension_numbers = #tpu.dot_dimension_numbers<[1], [0], [0], [1], [0, 0, 1, 1], [], []>, transpose_lhs_hint = false} : vector<10000x16xf32>, vector<16x1xf32>, vector<10000x1xf32> -> vector<10000x1xf32>
    %get3A_15 = arith.constant 0 : index
    %get3A_16 = arith.constant 0 : index
    %get3A_17 = vector.load %arg4[%get3A_15, %get3A_16] : memref<1x1xf32, #tpu.memory_space<vmem>>, vector<1x1xf32>
    %add3A_18 = vector.broadcast %get3A_17 : vector<1x1xf32> to vector<10000x1xf32>
    %add3A_19 = arith.addf %dot_general3A_14, %add3A_18 : vector<10000x1xf32>
    %mul3A = vector.broadcast %add3A_19 : vector<10000x1xf32> to vector<10000x16xf32>
    %mul3A_20 = arith.mulf %mul3A, %add3A_9 : vector<10000x16xf32>
    %broadcast_in_dim3A = arith.constant 1.000000e+00 : f32
    %broadcast_in_dim3A_21 = vector.broadcast %broadcast_in_dim3A : f32 to vector<10000x16xf32>
    %concatenate3A = tpu.concatenate %mul3A_20, %add3A_9, %broadcast_in_dim3A_21 in 1 : vector<10000x16xf32>, vector<10000x16xf32>, vector<10000x16xf32> -> vector<10000x48xf32>
    %swap3A = arith.constant 0 : index
    %swap3A_22 = arith.constant 0 : index
    %swap3A_23 = vector.load %arg5[%swap3A, %swap3A_22] : memref<10000x48xf32, #tpu.memory_space<vmem>>, vector<10000x48xf32>
    tpu.vector_store %arg5[%swap3A, %swap3A_22], %concatenate3A {strides = array<i32>} : memref<10000x48xf32, #tpu.memory_space<vmem>>, vector<10000x48xf32>,
    return
  }
}

module attributes {stable_mosaic.version = 14 : i64} {
  func.func @_mid_body(%arg0: memref<2x10112x48xf32, #tpu.memory_space<vmem>>, %arg1: memref<10000x48xf32, #tpu.memory_space<vmem>>, %arg2: memref<32x1xf32, #tpu.memory_space<vmem>>, %arg3: memref<1x1xf32, #tpu.memory_space<vmem>>, %arg4: memref<16x16xf32, #tpu.memory_space<vmem>>, %arg5: memref<1x16xf32, #tpu.memory_space<vmem>>, %arg6: memref<32x1xf32, #tpu.memory_space<vmem>>, %arg7: memref<1x1xf32, #tpu.memory_space<vmem>>, %arg8: memref<10000x32xf32, #tpu.memory_space<vmem>>, %arg9: memref<10000x16xf32, #tpu.memory_space<vmem>>) attributes {dimension_semantics = [], scalar_prefetch = 0 : i64, scratch_operands = 0 : i64, tpu.core_type = #tpu.core_type<tc>} {
    %get3A = arith.constant 0 : index
    %get3A_0 = arith.constant 0 : index
    %get3A_1 = arith.constant 0 : index
    %get3A_2 = vector.load %arg0[%get3A, %get3A_0, %get3A_1] : memref<2x10112x48xf32, #tpu.memory_space<vmem>>, vector<1x10112x48xf32>
    %get3A_3 = vector.shape_cast %get3A_2 : vector<1x10112x48xf32> to vector<10112x48xf32>
    %get3A_4 = arith.constant 1 : index
    %get3A_5 = arith.constant 0 : index
    %get3A_6 = arith.constant 0 : index
    %get3A_7 = vector.load %arg0[%get3A_4, %get3A_5, %get3A_6] : memref<2x10112x48xf32, #tpu.memory_space<vmem>>, vector<1x10112x48xf32>
    %get3A_8 = vector.shape_cast %get3A_7 : vector<1x10112x48xf32> to vector<10112x48xf32>
    %add3A = arith.addf %get3A_3, %get3A_8 : vector<10112x48xf32>
    %slice3A = vector.extract_strided_slice %add3A {offsets = [0, 0], sizes = [10000, 48], strides = [1, 1]} : vector<10112x48xf32> to vector<10000x48xf32>
    %slice3A_9 = vector.extract_strided_slice %slice3A {offsets = [0, 0], sizes = [10000, 16], strides = [1, 1]} : vector<10000x48xf32> to vector<10000x16xf32>
    %slice3A_10 = vector.extract_strided_slice %slice3A {offsets = [0, 16], sizes = [10000, 16], strides = [1, 1]} : vector<10000x48xf32> to vector<10000x16xf32>
    %slice3A_11 = vector.extract_strided_slice %slice3A {offsets = [0, 32], sizes = [10000, 16], strides = [1, 1]} : vector<10000x48xf32> to vector<10000x16xf32>
    %get3A_12 = arith.constant 0 : index
    %get3A_13 = arith.constant 16 : index
    %get3A_14 = vector.load %arg1[%get3A_12, %get3A_13] : memref<10000x48xf32, #tpu.memory_space<vmem>>, vector<10000x16xf32>
    %get3A_15 = arith.constant 0 : index
    %get3A_16 = arith.constant 0 : index
    %get3A_17 = vector.load %arg2[%get3A_15, %get3A_16] : memref<32x1xf32, #tpu.memory_space<vmem>>, vector<16x1xf32>
    %dot_general3A = arith.constant dense<0.000000e+00> : vector<10000x1xf32>
    %dot_general3A_18 = tpu.matmul %get3A_14, %get3A_17, %dot_general3A {dimension_numbers = #tpu.dot_dimension_numbers<[1], [0], [0], [1], [0, 0, 1, 1], [], []>, transpose_lhs_hint = false} : vector<10000x16xf32>, vector<16x1xf32>, vector<10000x1xf32> -> vector<10000x1xf32>
    %get3A_19 = arith.constant 16 : index
    %get3A_20 = arith.constant 0 : index
    %get3A_21 = vector.load %arg2[%get3A_19, %get3A_20] : memref<32x1xf32, #tpu.memory_space<vmem>>, vector<16x1xf32>
    %dot_general3A_22 = arith.constant dense<0.000000e+00> : vector<10000x1xf32>
    %dot_general3A_23 = tpu.matmul %get3A_14, %get3A_21, %dot_general3A_22 {dimension_numbers = #tpu.dot_dimension_numbers<[1], [0], [0], [1], [0, 0, 1, 1], [], []>, transpose_lhs_hint = false} : vector<10000x16xf32>, vector<16x1xf32>, vector<10000x1xf32> -> vector<10000x1xf32>
    %add3A_24 = arith.addf %dot_general3A_18, %dot_general3A_23 : vector<10000x1xf32>
    %get3A_25 = arith.constant 0 : index
    %get3A_26 = arith.constant 0 : index
    %get3A_27 = vector.load %arg3[%get3A_25, %get3A_26] : memref<1x1xf32, #tpu.memory_space<vmem>>, vector<1x1xf32>
    %add3A_28 = vector.broadcast %get3A_27 : vector<1x1xf32> to vector<10000x1xf32>
    %add3A_29 = arith.addf %add3A_24, %add3A_28 : vector<10000x1xf32>
    %mul3A = vector.broadcast %add3A_29 : vector<10000x1xf32> to vector<10000x16xf32>
    %mul3A_30 = arith.mulf %mul3A, %get3A_14 : vector<10000x16xf32>
    %add3A_31 = arith.constant 1.000000e+00 : f32
    %add3A_32 = vector.broadcast %add3A_31 : f32 to vector<10000x16xf32>
    %add3A_33 = arith.addf %slice3A_11, %add3A_32 : vector<10000x16xf32>
    %mul3A_34 = vector.broadcast %dot_general3A_23 : vector<10000x1xf32> to vector<10000x16xf32>
    %mul3A_35 = arith.mulf %mul3A_34, %slice3A_10 : vector<10000x16xf32>
    %add3A_36 = arith.addf %slice3A_9, %mul3A_35 : vector<10000x16xf32>
    %add3A_37 = arith.addf %add3A_36, %mul3A_30 : vector<10000x16xf32>
    %div3A = arith.divf %add3A_37, %add3A_33 : vector<10000x16xf32>
    %max3A = arith.constant 0.000000e+00 : f32
    %max3A_38 = vector.broadcast %max3A : f32 to vector<10000x16xf32>
    %max3A_39 = arith.maximumf %div3A, %max3A_38 : vector<10000x16xf32>
    %get3A_40 = arith.constant 0 : index
    %get3A_41 = arith.constant 0 : index
    %get3A_42 = vector.load %arg4[%get3A_40, %get3A_41] : memref<16x16xf32, #tpu.memory_space<vmem>>, vector<16x16xf32>
    %dot_general3A_43 = arith.constant dense<0.000000e+00> : vector<10000x16xf32>
    %dot_general3A_44 = tpu.matmul %max3A_39, %get3A_42, %dot_general3A_43 {dimension_numbers = #tpu.dot_dimension_numbers<[1], [0], [0], [1], [0, 0, 1, 1], [], []>, transpose_lhs_hint = false} : vector<10000x16xf32>, vector<16x16xf32>, vector<10000x16xf32> -> vector<10000x16xf32>
    %get3A_45 = arith.constant 0 : index
    %get3A_46 = arith.constant 0 : index
    %get3A_47 = vector.load %arg5[%get3A_45, %get3A_46] : memref<1x16xf32, #tpu.memory_space<vmem>>, vector<1x16xf32>
    %add3A_48 = vector.broadcast %get3A_47 : vector<1x16xf32> to vector<10000x16xf32>
    %add3A_49 = arith.addf %dot_general3A_44, %add3A_48 : vector<10000x16xf32>
    %get3A_50 = arith.constant 0 : index
    %get3A_51 = arith.constant 0 : index
    %get3A_52 = vector.load %arg6[%get3A_50, %get3A_51] : memref<32x1xf32, #tpu.memory_space<vmem>>, vector<16x1xf32>
    %dot_general3A_53 = arith.constant dense<0.000000e+00> : vector<10000x1xf32>
    %dot_general3A_54 = tpu.matmul %add3A_49, %get3A_52, %dot_general3A_53 {dimension_numbers = #tpu.dot_dimension_numbers<[1], [0], [0], [1], [0, 0, 1, 1], [], []>, transpose_lhs_hint = false} : vector<10000x16xf32>, vector<16x1xf32>, vector<10000x1xf32> -> vector<10000x1xf32>
    %get3A_55 = arith.constant 0 : index
    %get3A_56 = arith.constant 0 : index
    %get3A_57 = vector.load %arg7[%get3A_55, %get3A_56] : memref<1x1xf32, #tpu.memory_space<vmem>>, vector<1x1xf32>
    %add3A_58 = vector.broadcast %get3A_57 : vector<1x1xf32> to vector<10000x1xf32>
    %add3A_59 = arith.addf %dot_general3A_54, %add3A_58 : vector<10000x1xf32>
    %mul3A_60 = vector.broadcast %add3A_59 : vector<10000x1xf32> to vector<10000x16xf32>
    %mul3A_61 = arith.mulf %mul3A_60, %add3A_49 : vector<10000x16xf32>
    %concatenate3A = tpu.concatenate %mul3A_61, %add3A_49 in 1 : vector<10000x16xf32>, vector<10000x16xf32> -> vector<10000x32xf32>
    %swap3A = arith.constant 0 : index
    %swap3A_62 = arith.constant 0 : index
    %swap3A_63 = vector.load %arg8[%swap3A, %swap3A_62] : memref<10000x32xf32, #tpu.memory_space<vmem>>, vector<10000x32xf32>
    tpu.vector_store %arg8[%swap3A, %swap3A_62], %concatenate3A {strides = array<i32>} : memref<10000x32xf32, #tpu.memory_space<vmem>>, vector<10000x32xf32>,
    %swap3A_64 = arith.constant 0 : index
    %swap3A_65 = arith.constant 0 : index
    %swap3A_66 = vector.load %arg9[%swap3A_64, %swap3A_65] : memref<10000x16xf32, #tpu.memory_space<vmem>>, vector<10000x16xf32>
    tpu.vector_store %arg9[%swap3A_64, %swap3A_65], %add3A_33 {strides = array<i32>} : memref<10000x16xf32, #tpu.memory_space<vmem>>, vector<10000x16xf32>,
    return
  }
}

module attributes {stable_mosaic.version = 14 : i64} {
  func.func @_final_body(%arg0: memref<2x10112x32xf32, #tpu.memory_space<vmem>>, %arg1: memref<10000x32xf32, #tpu.memory_space<vmem>>, %arg2: memref<10000x16xf32, #tpu.memory_space<vmem>>, %arg3: memref<32x1xf32, #tpu.memory_space<vmem>>, %arg4: memref<1x1xf32, #tpu.memory_space<vmem>>, %arg5: memref<10000x16xf32, #tpu.memory_space<vmem>>) attributes {dimension_semantics = [], scalar_prefetch = 0 : i64, scratch_operands = 0 : i64, tpu.core_type = #tpu.core_type<tc>} {
    %get3A = arith.constant 0 : index
    %get3A_0 = arith.constant 0 : index
    %get3A_1 = arith.constant 0 : index
    %get3A_2 = vector.load %arg0[%get3A, %get3A_0, %get3A_1] : memref<2x10112x32xf32, #tpu.memory_space<vmem>>, vector<1x10112x32xf32>
    %get3A_3 = vector.shape_cast %get3A_2 : vector<1x10112x32xf32> to vector<10112x32xf32>
    %get3A_4 = arith.constant 1 : index
    %get3A_5 = arith.constant 0 : index
    %get3A_6 = arith.constant 0 : index
    %get3A_7 = vector.load %arg0[%get3A_4, %get3A_5, %get3A_6] : memref<2x10112x32xf32, #tpu.memory_space<vmem>>, vector<1x10112x32xf32>
    %get3A_8 = vector.shape_cast %get3A_7 : vector<1x10112x32xf32> to vector<10112x32xf32>
    %add3A = arith.addf %get3A_3, %get3A_8 : vector<10112x32xf32>
    %slice3A = vector.extract_strided_slice %add3A {offsets = [0, 0], sizes = [10000, 32], strides = [1, 1]} : vector<10112x32xf32> to vector<10000x32xf32>
    %slice3A_9 = vector.extract_strided_slice %slice3A {offsets = [0, 0], sizes = [10000, 16], strides = [1, 1]} : vector<10000x32xf32> to vector<10000x16xf32>
    %slice3A_10 = vector.extract_strided_slice %slice3A {offsets = [0, 16], sizes = [10000, 16], strides = [1, 1]} : vector<10000x32xf32> to vector<10000x16xf32>
    %get3A_11 = arith.constant 0 : index
    %get3A_12 = arith.constant 16 : index
    %get3A_13 = vector.load %arg1[%get3A_11, %get3A_12] : memref<10000x32xf32, #tpu.memory_space<vmem>>, vector<10000x16xf32>
    %get3A_14 = arith.constant 0 : index
    %get3A_15 = arith.constant 0 : index
    %get3A_16 = vector.load %arg3[%get3A_14, %get3A_15] : memref<32x1xf32, #tpu.memory_space<vmem>>, vector<16x1xf32>
    %dot_general3A = arith.constant dense<0.000000e+00> : vector<10000x1xf32>
    %dot_general3A_17 = tpu.matmul %get3A_13, %get3A_16, %dot_general3A {dimension_numbers = #tpu.dot_dimension_numbers<[1], [0], [0], [1], [0, 0, 1, 1], [], []>, transpose_lhs_hint = false} : vector<10000x16xf32>, vector<16x1xf32>, vector<10000x1xf32> -> vector<10000x1xf32>
    %get3A_18 = arith.constant 16 : index
    %get3A_19 = arith.constant 0 : index
    %get3A_20 = vector.load %arg3[%get3A_18, %get3A_19] : memref<32x1xf32, #tpu.memory_space<vmem>>, vector<16x1xf32>
    %dot_general3A_21 = arith.constant dense<0.000000e+00> : vector<10000x1xf32>
    %dot_general3A_22 = tpu.matmul %get3A_13, %get3A_20, %dot_general3A_21 {dimension_numbers = #tpu.dot_dimension_numbers<[1], [0], [0], [1], [0, 0, 1, 1], [], []>, transpose_lhs_hint = false} : vector<10000x16xf32>, vector<16x1xf32>, vector<10000x1xf32> -> vector<10000x1xf32>
    %add3A_23 = arith.addf %dot_general3A_17, %dot_general3A_22 : vector<10000x1xf32>
    %get3A_24 = arith.constant 0 : index
    %get3A_25 = arith.constant 0 : index
    %get3A_26 = vector.load %arg4[%get3A_24, %get3A_25] : memref<1x1xf32, #tpu.memory_space<vmem>>, vector<1x1xf32>
    %add3A_27 = vector.broadcast %get3A_26 : vector<1x1xf32> to vector<10000x1xf32>
    %add3A_28 = arith.addf %add3A_23, %add3A_27 : vector<10000x1xf32>
    %mul3A = vector.broadcast %add3A_28 : vector<10000x1xf32> to vector<10000x16xf32>
    %mul3A_29 = arith.mulf %mul3A, %get3A_13 : vector<10000x16xf32>
    %mul3A_30 = vector.broadcast %dot_general3A_22 : vector<10000x1xf32> to vector<10000x16xf32>
    %mul3A_31 = arith.mulf %mul3A_30, %slice3A_10 : vector<10000x16xf32>
    %add3A_32 = arith.addf %slice3A_9, %mul3A_31 : vector<10000x16xf32>
    %add3A_33 = arith.addf %add3A_32, %mul3A_29 : vector<10000x16xf32>
    %get3A_34 = arith.constant 0 : index
    %get3A_35 = arith.constant 0 : index
    %get3A_36 = vector.load %arg2[%get3A_34, %get3A_35] : memref<10000x16xf32, #tpu.memory_space<vmem>>, vector<10000x16xf32>
    %div3A = arith.divf %add3A_33, %get3A_36 : vector<10000x16xf32>
    %reduce_max3A = arith.constant dense<0xFF800000> : vector<10000xf32>
    %reduce_max3A_37 = vector.multi_reduction <maximumf>, %div3A, %reduce_max3A [1] : vector<10000x16xf32> to vector<10000xf32>
    %broadcast_in_dim3A = vector.shape_cast %reduce_max3A_37 : vector<10000xf32> to vector<10000x1xf32>
    %sub3A = vector.broadcast %broadcast_in_dim3A : vector<10000x1xf32> to vector<10000x16xf32>
    %sub3A_38 = arith.subf %div3A, %sub3A : vector<10000x16xf32>
    %exp3A = math.exp %sub3A_38 : vector<10000x16xf32>
    %reduce_sum3A = arith.constant dense<0.000000e+00> : vector<10000xf32>
    %reduce_sum3A_39 = vector.multi_reduction <add>, %exp3A, %reduce_sum3A [1] : vector<10000x16xf32> to vector<10000xf32>
    %broadcast_in_dim3A_40 = vector.shape_cast %reduce_sum3A_39 : vector<10000xf32> to vector<10000x1xf32>
    %log3A = math.log %broadcast_in_dim3A_40 : vector<10000x1xf32>
    %sub3A_41 = vector.broadcast %log3A : vector<10000x1xf32> to vector<10000x16xf32>
    %sub3A_42 = arith.subf %sub3A_38, %sub3A_41 : vector<10000x16xf32>
    %swap3A = arith.constant 0 : index
    %swap3A_43 = arith.constant 0 : index
    %swap3A_44 = vector.load %arg5[%swap3A, %swap3A_43] : memref<10000x16xf32, #tpu.memory_space<vmem>>, vector<10000x16xf32>
    tpu.vector_store %arg5[%swap3A, %swap3A_43], %sub3A_42 {strides = array<i32>} : memref<10000x16xf32, #tpu.memory_space<vmem>>, vector<10000x16xf32>,
    return
  }
}

</mosaic_0001>

<sc_bundles>
// kernel: kernel.10.cloned.1.call-start
scs
__scs_entry_jumppad:
0x0: {  	(pc) =	sbr.rel $0x88, $3  }
0x1: {  	(tag) =	ssettag $0x0;
	lr =	simm.s32 $0x1  }
0x2: {  	[smem:$0x3F97] =	sst lr;
	_ =	strace $0xD0000000  }
0x3: {  	_ = 	snop  }
0x4: {  	_ = 	snop  }
0x5: {  	_ = 	snop  }
0x6: {  	_ = 	snop  }
0x7: {  	_ = 	snop  }
__scs_overlays_trampoline_lowered:
0x8: {  	[smem:$0x3FA6] =	sst s0  }
0x9: {  	[smem:$0x3FA7] =	sst s1  }
0xa: {  	[smem:$0x3FA8] =	sst s2  }
0xb: {  	[smem:$0x3FA9] =	sst s3  }
0xc: {  	[smem:$0x3FAA] =	sst s4  }
0xd: {  	[smem:$0x3FAB] =	sst s5  }
0xe: {  	[smem:$0x3FAC] =	sst s6  }
0xf: {  	[smem:$0x3FAD] =	sst s7  }
0x10: {  	[smem:$0x3FAE] =	sst s8  }
0x11: {  	[smem:$0x3FAF] =	sst s9;
	s0 =	simm.s32 @!p0 $0x0  }
0x12: {  	s1 =	sld [smem:$0x3F95];
	s0 =	simm.s32 @p0 $0x1  }
0x13: {  	[smem:$0x3FB0] =	sst s0;
	s0 =	simm.s32 @!p1 $0x0  }
0x14: {  	s2 =	sld [smem:$0x3F94];
	s0 =	simm.s32 @p1 $0x1  }
0x15: {  	[smem:$0x3FB1] =	sst s0;
	s0 =	simm.s32 @!p2 $0x0  }
0x16: {  	s3 =	sld [smem:$0x3FDB];
	s0 =	simm.s32 @p2 $0x1  }
0x17: {  	s4 =	simm.s32 $0x1BF5;
	[smem:$0x3FB3] =	sst s0  }
0x18: {  	s0 =	sld [smem:$0x3F96];
	_ =	swait.ge [sflag:s4], $0x0  }
0x19: {  	s7 =	sld [smem:$0x3F97]  }
0x1a: {  	s8 =	sadd.s32 $0xFFFFE003, lr  }
0x1b: {  	s9 =	sadd.s32 $0xFFFFFEF7, lr;
	s5 =	simm.s32 $0xFFFFFFFF;
	p2 =	slt.u32 s8, $0xFFFFF086  }
0x1c: {  	p1 =	slt.u32 s9, $0xF7A;
	s5 =	simm.s32 @!p2 $0x0  }
0x1d: {  	s5 =	simm.s32 @p1 $0x1;
	p0 =	seq.s32 s7, s2  }
0x1e: {  	s7 =	smul.u32 @!p0 $0xF7A, s2;
	p2 =	seq.s32 @!p0 s5, $0x0  }
0x1f: {  	s9 =	smul.u32 $0xF7A, s1;
	s8 =	simm.s32 @!p0 $0x1BF5;
	p2 =	por !p2, p0  }
0x20: {  	[sflag:s8] =	ssyncset.s32 @!p0 $0xFFFFF086;
	s6 =	sadd.s32 @!p0 s3, s7;
	s7 =	simm.s32 @!p0 $0x108  }
0x21: {  	s3 =	sadd.s32 s3, s9;
	s6 =	sadd.s32 @!p0 $0x88, s6;
	s7 =	simm.s32 @p2 $0x1082  }
0x22: {  	[simem:s7], [sflag:s8] =	dma.local @!p0 [hbm:s6], $0xF7A  }
0x23: {  	s9 =	sor.u32 $0xD0000000, s2;
	s6 =	simm.s32 $0x108;
	_ =	swait.ge @!p0 [sflag:s8], $0x0  }
0x24: {  	s3 =	sadd.s32 $0x88, s3;
	s6 =	simm.s32 @!p1 $0x1082;
	[sflag:s4] =	ssyncset.s32 $0xFFFFF086  }
0x25: {  	[simem:s6], [sflag:s4] =	dma.local [hbm:s3], $0xF7A  }
0x26: {  	[smem:$0x3F97] =	sst s1;
	(tag) =	ssettag s2;
	_ =	strace s9  }
0x27: {  	s1 =	sld [smem:$0x3FA7]  }
0x28: {  	s2 =	sld [smem:$0x3FA8]  }
0x29: {  	s4 =	sld [smem:$0x3FAA]  }
0x2a: {  	p0 =	seq.s32 s5, $0x0;
	s5 =	sld [smem:$0x3FAB]  }
0x2b: {  	s6 =	sld [smem:$0x3FAC]  }
0x2c: {  	s7 =	sld [smem:$0x3FAD]  }
0x2d: {  	s3 =	simm.s32 $0x108;
	s8 =	sld [smem:$0x3FAE]  }
0x2e: {  	s3 =	simm.s32 @!p0 $0x1082;
	s9 =	sld [smem:$0x3FAF]  }
0x2f: {  	lr =	sadd.s32 s0, s3;
	s0 =	sld [smem:$0x3FA6]  }
0x30: {  	s3 =	sld [smem:$0x3FA9]  }
0x31: {  	[smem:$0x3FB2] =	sst s10  }
0x32: {  	s10 =	sld [smem:$0x3FB0];
	_ =	sdelay $0x3  }
0x33: {  	p0 =	seq.s32 s10, $0x1;
	s10 =	sld [smem:$0x3FB2];
	_ =	sdelay $0x3  }
0x34: {  	[smem:$0x3FB2] =	sst s10  }
0x35: {  	s10 =	sld [smem:$0x3FB1];
	_ =	sdelay $0x3  }
0x36: {  	p1 =	seq.s32 s10, $0x1;
	s10 =	sld [smem:$0x3FB2];
	_ =	sdelay $0x3  }
0x37: {  	[smem:$0x3FB2] =	sst s10  }
0x38: {  	s10 =	sld [smem:$0x3FB3]  }
0x39: {  	_ = 	snop;
	(pc) =	sbr.ind lr, $3  }
0x3a: {  	_ = 	snop  }
0x3b: {  	_ = 	snop  }
0x3c: {  	p2 =	seq.s32 s10, $0x1;
	s10 =	sld [smem:$0x3FB2]  }
0x3d: {  	_ =	shalt  }
0x3e: {  	_ =	shalt  }
0x3f: {  	_ =	shalt  }
0x40: {  	_ =	shalt  }
0x41: {  	_ =	shalt  }
0x42: {  	_ =	shalt  }
0x43: {  	_ =	shalt  }
0x44: {  	_ =	shalt  }
0x45: {  	_ =	shalt  }
0x46: {  	_ =	shalt  }
0x47: {  	_ =	shalt  }
0x48: {  	_ =	shalt  }
0x49: {  	_ =	shalt  }
0x4a: {  	_ =	shalt  }
0x4b: {  	_ =	shalt  }
0x4c: {  	_ =	shalt  }
0x4d: {  	_ =	shalt  }
0x4e: {  	_ =	shalt  }
0x4f: {  	_ =	shalt  }
0x50: {  	_ =	shalt  }
0x51: {  	_ =	shalt  }
0x52: {  	_ =	shalt  }
0x53: {  	_ =	shalt  }
0x54: {  	_ =	shalt  }
0x55: {  	_ =	shalt  }
0x56: {  	_ =	shalt  }
0x57: {  	_ =	shalt  }
0x58: {  	_ =	shalt  }
0x59: {  	_ =	shalt  }
0x5a: {  	_ =	shalt  }
0x5b: {  	_ =	shalt  }
0x5c: {  	_ =	shalt  }
0x5d: {  	_ =	shalt  }
0x5e: {  	_ =	shalt  }
0x5f: {  	_ =	shalt  }
0x60: {  	_ =	shalt  }
0x61: {  	_ =	shalt  }
0x62: {  	_ =	shalt  }
0x63: {  	_ =	shalt  }
0x64: {  	_ =	shalt  }
0x65: {  	_ =	shalt  }
0x66: {  	_ =	shalt  }
0x67: {  	_ =	shalt  }
0x68: {  	_ =	shalt  }
0x69: {  	_ =	shalt  }
0x6a: {  	_ =	shalt  }
0x6b: {  	_ =	shalt  }
0x6c: {  	_ =	shalt  }
0x6d: {  	_ =	shalt  }
0x6e: {  	_ =	shalt  }
0x6f: {  	_ =	shalt  }
0x70: {  	_ =	shalt  }
0x71: {  	_ =	shalt  }
0x72: {  	_ =	shalt  }
0x73: {  	_ =	shalt  }
0x74: {  	_ =	shalt  }
0x75: {  	_ =	shalt  }
0x76: {  	_ =	shalt  }
0x77: {  	_ =	shalt  }
0x78: {  	_ =	shalt  }
0x79: {  	_ =	shalt  }
0x7a: {  	_ =	shalt  }
0x7b: {  	_ =	shalt  }
0x7c: {  	_ =	shalt  }
0x7d: {  	_ =	shalt  }
0x7e: {  	_ =	shalt  }
0x7f: {  	_ =	shalt  }
0x80: {  	_ =	shalt  }
0x81: {  	_ =	shalt  }
0x82: {  	_ =	shalt  }
0x83: {  	_ =	shalt  }
0x84: {  	_ =	shalt  }
0x85: {  	_ =	shalt  }
0x86: {  	_ =	shalt  }
0x87: {  	_ =	shalt  }
.Lfunc_end0:
.L_simem_size_0:
called_computation.1_lowered:
.L_overlay_start_0:
0x88: {  	s2 =	sld [smem:$0x3FD9]  }
0x89: {  	s3 =	sld [smem:$0x3FFE];
	_ =	sdelay $0x1  }
0x8a: {  	s1 =	srdreg.scid  }
0x8b: {  	s0 =	sand.u32 $0x1, s1  }
0x8c: {  	s16 =	sshll.u32 s0, $0xA;
	s2 =	sadd.s32 s3, s2  }
0x8d: {  	s2 =	sadd.s32 s2, s16  }
0x8e: {  	[smem:$0x3FBE] =	sst s2  }
0x8f: {  	_ = 	snop  }
0x90: {  	(tm) =	ssettm $0x1  }
0x91: {  	s17 =	sld [smem:$0x3FFB];
	_ =	sdelay $0x3  }
0x92: {  	_ =	strace s17  }
0x93: {  	s2 =	sld [smem:$0x3FFC];
	_ =	sdelay $0x3  }
0x94: {  	_ =	strace s2  }
0x95: {  	s2 =	sld [smem:$0x3FFD];
	_ =	sdelay $0x3  }
0x96: {  	_ =	strace s2  }
0x97: {  	_ =	strace $0x8FFFFFFF  }
0x98: {  	s18 =	sld [smem:$0x3FDB];
	_ =	sdelay $0x1  }
0x99: {  	s19 =	simm.s32 $_scs_section_size  }
0x9a: {  	s4 =	simm.s32 $_size__tile_overlayer_lowered;
	s5 =	simm.s32 $_tile_overlayer_lowered  }
0x9b: {  	s22 =	simm.s32 $0x1BFF;
	s21 =	sshll.u32 s5, $0x1;
	s2 =	sadd.s32 s19, s18  }
0x9c: {  	s6 =	simm.s32 $0x0;
	s20 =	sshll.u32 s4, $0x1;
	s4 =	sadd.s32 s21, s2  }
0x9d: {  	[timem:s6], [sflag:s22] =	dma.local [hbm:s4], s20  }
0x9e: {  	_ =	swait.ge [sflag:s22], s20  }
0x9f: {  	s3 =	ssub.s32 $0x0, s20;
	[sflag:s22] =	ssyncset.done $0x0  }
0xa0: {  	[sflag:s22] =	ssyncadd.s32 s3;
	_ =	sdelay $0x1  }
0xa1: {  	s23 =	simm.s32 $0x1B8B  }
0xa2: {  	_ =	swait.ge [sflag:s23], $0x1  }
0xa3: {  	[sflag:s23] =	ssyncset.done $0x0  }
0xa4: {  	s25 =	simm.s32 $0x1B8E;
	s24 =	sld [smem:$0x3FFE];
	[sflag:s23] =	ssyncadd.s32 $0xFFFFFFFF  }
0xa5: {  	s26 =	simm.s32 $execute0_lowered;
	[smem:$0x3FD2] =	sst s25  }
0xa6: {  	s4 =	sshll.u32 s26, $0x1;
	_ =	strace $0x80000049;
	[dreg:$0x1] =	wrdreg $0xFFFFFFFF  }
0xa7: {  	s28 =	simm.s32 $_size_execute0_lowered;
	s2 =	sadd.s32 s2, s4;
	[dreg:$0x0] =	wrdreg $0x0  }
0xa8: {  	s4 =	sshll.u32 s28, $0x1;
	[dreg:$0x2] =	wrdreg s2  }
0xa9: {  	[dreg:$0x3] =	wrdreg s4  }
0xaa: {  	[dreg:$0x4] =	wrdreg $0xC0  }
0xab: {  	_ =	task [dreg:s6], $0x5FFFF  }
0xac: {  	[dreg:$0x1] =	wrdreg $0xFFFFFFFF  }
0xad: {  	[dreg:$0x0] =	wrdreg $0x60  }
0xae: {  	[dreg:$0x2] =	wrdreg s24  }
0xaf: {  	[dreg:$0x3] =	wrdreg $0x58000  }
0xb0: {  	[dreg:$0x4] =	wrdreg $0xA7000  }
0xb1: {  	[dreg:$0x5] =	wrdreg $0x9  }
0xb2: {  	_ =	task.clear_ibuf [dreg:s6], $0x6FFFF;
	_ =	strace $0x90000049  }
0xb3: {  	s29 =	simm.s32 $0x9;
	_ =	strace $0x8000004B  }
0xb4: {  	_ =	swait.ge [sflag:s29], $0x1  }
0xb5: {  	[sflag:s29] =	ssyncadd.s32 $0xFFFFFFFF  }
0xb6: {  	_ =	strace $0x9000004B  }
0xb7: {  	_ =	sfence  }
0xb8: {  	s30 =	sld [smem:$0x0];
	_ =	sdelay $0x2  }
0xb9: {  	s31 =	sshll.u32 s1, $0xD;
	s1 =	sshrl.u32 s1, $0x2  }
0xba: {  	s3 =	sand.u32 $0x4000, s31;
	s1 =	sadd.s32 s1, s30  }
0xbb: {  	s0 =	sor.u32 s3, s0;
	s1 =	sshll.u32 s1, $0x11  }
0xbc: {  	s0 =	sor.u32 s1, s0  }
0xbd: {  	s0 =	sadd.s32 $0x8F2B, s0  }
0xbe: {  	[sflag:s0] =	ssyncadd.remote.s32 $0x1  }
0xbf: {  	_ =	sfence.sel $0xFFFF  }
0xc0: {  	[dreg:$0x0] =	wrdreg $0xFFFFFFFF;
	(pc) =	sbr.abs _section_cstart, $3  }
0xc1: {  	[dreg:$0x1] =	wrdreg $0xFFFFFFFF  }
0xc2: {  	_ =	task.clear_ibuf [dreg:s6], $0x2FFFF;
	_ =	strace $0x9FFFFFFF  }
0xc3: {  	(tm) =	ssettm $0x7FFFFFFF  }
tec
execute0_lowered:
.L_overlay_start_1:
0x0: {  	(tag) =	ssettag $0x1  }
0x1: {  	s5 =	rddreg [dreg:$0x0]  }
0x2: {  	s2 =	rddreg [dreg:$0x1]  }
0x3: {  	s3 =	rddreg [dreg:$0x2]  }
0x4: {  	s1 =	stileid.u32;
	s6 =	srdreg.scid;
	s4 =	simm.s32 $0x0  }
0x5: {  	s22 =	simm.s32 $0x3800;
	s23 =	simm.s32 $0x4800;
	s9 =	smul.u32 $0x4E20, s1  }
0x6: {  	s24 =	simm.s32 $0x1;
	s25 =	simm.s32 $0x2;
	s7 =	smul.u32 $0x4F00, s1  }
0x7: {  	s6 =	sand.u32 $0x1, s6;
	[smem:$0x7FF] =	sst s4;
	s13 =	sadd.s32 $0x14A00, s5  }
0x8: {  	s14 =	sadd.s32 $0xFA00, s5;
	s17 =	smul.u32 $0x38, s1;
	s28 =	sshll.u32 s1, $0x6  }
0x9: {  	s12 =	smul.u32 $0x4F000, s6;
	_ =	strace $0x8000004A;
	s16 =	ssub.s32 $0x2, s6  }
0xa: {  	p0 =	seq.s32 s6, $0x0;
	s11 =	sshrl.u32 s9, $0x3;
	s15 =	sshrl.u32 s7, $0x3  }
0xb: {  	s26 =	sshrl.u32 s16, $0x1;
	s17 =	sadd.s32 $0x180, s17;
	s20 =	sadd.s32 s7, s2  }
0xc: {  	s21 =	sadd.s32 s9, s3;
	s11 =	sadd.s32 s11, s5;
	s12 =	sadd.s32 s7, s12  }
0xd: {  	s15 =	sadd.s32 s15, s5;
	s16 =	ssub.s32 s16, s26;
	s19 =	sshll.u32 s17, $0x4  }
0xe: {  	s7 =	sor.u32 $0x1C03, s28;
	s26 =	simm.s32 $0x0;
	s12 =	sshrl.u32 s12, $0x3  }
0xf: {  	s6 =	sadd.s32 $0x19A00, s15;
	s30 =	sadd.s32 $0x180, s19;
	s9 =	sadd.s32 $0xE00, s11  }
0x10: {  	s16 =	smax.u32 s16, $0x1;
	s18 =	sadd.s32 s12, s5;
	s5 =	simm.s32 $0x18  }
0x11: {  	s19 =	simm.s32 $0x3;
	s12 =	smul.u32 $0x18, s1;
	s5 =	simm.s32 @!p0 $0x38  }
0x12: {  	s15 =	sadd.s32 $0x23800, s18;
	s18 =	sshrl.u32 s20, $0x3;
	s20 =	sshrl.u32 s21, $0x3  }
0x13: {  	s21 =	simm.s32 $0x80;
	s17 =	smov.u32 @p0 s12;
	s31 =	sshrl.u32 s5, $0x1  }
0x14: {  	s12 =	sadd.s32 s13, s30;
	s29 =	sshll.u32 s17, $0x4;
	s17 =	sadd.s32 $0xFFFFFFFF, s31  }
0x15: {  	s11 =	sadd.s32 s13, s29;
	s13 =	sadd.s32 s14, s29;
	s14 =	sadd.s32 s14, s30  }
.LBB2_1:
0x16: {  	[spmem:s18], [sflag:s7] =	dma.local [hbm:s6], $0x9E0  }
0x17: {  	_ =	swait.ge [sflag:s19], $0x9E0  }
0x18: {  	[sflag:s19] =	ssyncset.done $0x0  }
0x19: {  	[sflag:s19] =	ssyncadd.s32 $0xFFFFF620  }
0x1a: {  	[spmem:s20], [sflag:s7] =	dma.local [hbm:s9], $0x9C4  }
0x1b: {  	_ =	swait.ge [sflag:s19], $0x9C4  }
0x1c: {  	[sflag:s19] =	ssyncset.done $0x0  }
0x1d: {  	[sflag:s19] =	ssyncadd.s32 $0xFFFFF63C  }
0x1e: {  	[tilespmem:s4], [sflag:$0x3] =	stream.linear.gather [hbm4b:s11+s4], $0xC00, $0x38;
	[tilespmem:$0xF520] =	vst v63  }
0x1f: {  	_ =	swait.ge [sflag:s19], $0xC00  }
0x20: {  	[sflag:s19] =	ssyncset.done $0x0  }
0x21: {  	s28 =	simm.s32 @p0 $0x0;
	s29 =	simm.s32 @p0 $0x1C00;
	[sflag:s19] =	ssyncadd.s32 $0xFFFFF400  }
0x22: {  	[tilespmem:s29], [sflag:$0x3] =	stream.linear.gather @p0 [hbm4b:s13+s28], $0xC00, $0x38;
	[tilespmem:$0xF520] =	vst v63  }
0x23: {  	s28 =	simm.s32 @p0 $0x3  }
0x24: {  	_ =	swait.ge @p0 [sflag:s28], $0xC00  }
0x25: {  	[sflag:s28] =	ssyncset.done @p0 $0x0  }
0x26: {  	s29 =	simm.s32 @!p0 $0xC00;
	[sflag:s28] =	ssyncadd.s32 @p0 $0xFFFFF400;
	s28 =	simm.s32 @!p0 $0x0  }
0x27: {  	[tilespmem:s29], [sflag:$0x3] =	stream.linear.gather @!p0 [hbm4b:s12+s28], $0x1000, $0x38;
	[tilespmem:$0xF520] =	vst v63  }
0x28: {  	s29 =	simm.s32 @!p0 $0x3  }
0x29: {  	_ =	swait.ge @!p0 [sflag:s29], $0x1000  }
0x2a: {  	[sflag:s29] =	ssyncset.done @!p0 $0x0  }
0x2b: {  	s30 =	simm.s32 @!p0 $0x1C00;
	[sflag:s29] =	ssyncadd.s32 @!p0 $0xFFFFF000  }
0x2c: {  	[tilespmem:s30], [sflag:$0x3] =	stream.linear.gather @!p0 [hbm4b:s13+s28], $0xC00, $0x38;
	[tilespmem:$0xF520] =	vst v63  }
0x2d: {  	_ =	swait.ge @!p0 [sflag:s29], $0xC00  }
0x2e: {  	[sflag:s29] =	ssyncset.done @!p0 $0x0  }
0x2f: {  	s30 =	simm.s32 @!p0 $0x2800;
	[sflag:s29] =	ssyncadd.s32 @!p0 $0xFFFFF400  }
0x30: {  	[tilespmem:s30], [sflag:$0x3] =	stream.linear.gather @!p0 [hbm4b:s14+s28], $0x1000, $0x38;
	[tilespmem:$0xF520] =	vst v63  }
0x31: {  	s30 =	sadd.s32 $0xFFFFFFFF, s17  }
0x32: {  	p2 =	sne.s32 s30, $0x0  }
.Ltmp0:
0x33: {  	_ =	swait.ge @!p0 [sflag:s29], $0x1000;
	(pc) =	sbr.rel @!p2 .LBB2_2-.Ltmp0, $4  }
0x34: {  	[sflag:s29] =	ssyncset.done @!p0 $0x0  }
0x35: {  	p1 =	por $0x0, $0x0;
	[sflag:s29] =	ssyncadd.s32 @!p0 $0xFFFFF000  }
0x36: {  	s28 =	simm.s32 $0x1C80;
	s29 =	simm.s32 $0x100;
	[bflag:$0x0] =	sbarrier.arrive $0xFFFF  }
0x37: {  	[tilespmem:s22], [sflag:$0x1] =	stream.indirect.gather [spmem:s3], $0x20, s4, s21, $0xb8;
	[tilespmem:$0xF520] =	vst v63  }
0x38: {  	s31 =	simm.s32 $0x80  }
0x39: {  	[tilespmem:s23], [sflag:$0x2] =	stream.indirect.gather [spmem:s3], $0x20, s31, s21, $0xb8;
	[tilespmem:$0xF520] =	vst v63  }
0x3a: {  	_ =	swait.ge [sflag:s24], $0x1000  }
0x3b: {  	[sflag:s24] =	ssyncset.done $0x0  }
0x3c: {  	s31 =	simm.s32 $0x1C00;
	[sflag:s24] =	ssyncadd.s32 $0xFFFFF000  }
0x3d: {  	[spmem:s2] =	stream.indirect.scatter.add.f32 [tilespmem:s22], [sflag:$0x3], $0x20, s31, s21, $0xb8;
	[tilespmem:$0xF520] =	vst v63  }
0x3e: {  	_ =	swait.ge [sflag:s19], $0x1000  }
0x3f: {  	p1 =	sle.u32 s5, $0x2;
	[sflag:s19] =	ssyncset.done $0x0  }
0x40: {  	s0 =	simm.s32 @!p1 $0x3800;
	s31 =	simm.s32 @!p1 $0x80;
	[sflag:s19] =	ssyncadd.s32 $0xFFFFF000  }
0x41: {  	[tilespmem:s0], [sflag:$0x1] =	stream.indirect.gather @!p1 [spmem:s3], $0x20, s29, s31, $0xb8;
	[tilespmem:$0xF520] =	vst v63  }
0x42: {  	s31 =	sadd.s32 $0xFFFFFFFF, s30  }
0x43: {  	_ =	swait.ge [sflag:s25], $0x1000;
	p2 =	sne.s32 s31, $0x0  }
.Ltmp1:
0x44: {  	[sflag:s25] =	ssyncset.done $0x0;
	(pc) =	sbr.rel @!p2 .LBB2_6-.Ltmp1, $4  }
0x45: {  	[sflag:s25] =	ssyncadd.s32 $0xFFFFF000  }
0x46: {  	[spmem:s2] =	stream.indirect.scatter.add.f32 [tilespmem:s23], [sflag:$0x3], $0x20, s28, s21, $0xb8;
	[tilespmem:$0xF520] =	vst v63  }
0x47: {  	s29 =	simm.s32 $0x200;
	s30 =	simm.s32 $0x4;
	_ =	swait.ge [sflag:s19], $0x1000  }
0x48: {  	p1 =	por $0x1, $0x1;
	s28 =	simm.s32 $0x1D80;
	[sflag:s19] =	ssyncset.done $0x0  }
.LBB2_4:
0x49: {  	s31 =	sadd.s32 $0xFFFFFFFF, s31;
	s0 =	sadd.s32 $0xFFFFFF80, s29;
	[sflag:s19] =	ssyncadd.s32 $0xFFFFF000  }
0x4a: {  	[tilespmem:s23], [sflag:$0x2] =	stream.indirect.gather [spmem:s3], $0x20, s0, s21, $0xb8;
	[tilespmem:$0xF520] =	vst v63  }
0x4b: {  	p2 =	sne.s32 s31, $0x0;
	_ =	swait.ge [sflag:s24], $0x1000  }
0x4c: {  	[sflag:s24] =	ssyncset.done $0x0  }
0x4d: {  	s0 =	sadd.s32 $0xFFFFFF80, s28;
	[sflag:s24] =	ssyncadd.s32 $0xFFFFF000  }
0x4e: {  	[spmem:s2] =	stream.indirect.scatter.add.f32 [tilespmem:s22], [sflag:$0x3], $0x20, s0, s21, $0xb8;
	[tilespmem:$0xF520] =	vst v63  }
0x4f: {  	_ =	swait.ge [sflag:s19], $0x1000  }
0x50: {  	p3 =	sge.u32 s30, s5;
	[sflag:s19] =	ssyncset.done $0x0  }
0x51: {  	s8 =	simm.s32 @!p3 $0x3800;
	s0 =	simm.s32 @!p3 $0x80;
	[sflag:s19] =	ssyncadd.s32 $0xFFFFF000  }
0x52: {  	[tilespmem:s8], [sflag:$0x1] =	stream.indirect.gather @!p3 [spmem:s3], $0x20, s29, s0, $0xb8;
	[tilespmem:$0xF520] =	vst v63  }
0x53: {  	_ =	swait.ge [sflag:s25], $0x1000  }
.Ltmp2:
0x54: {  	[sflag:s25] =	ssyncset.done $0x0;
	(pc) =	sbr.rel @p2 .LBB2_4-.Ltmp2, $4  }
0x55: {  	s10 =	sadd.s32 $0x100, s29;
	[sflag:s25] =	ssyncadd.s32 $0xFFFFF000  }
0x56: {  	[spmem:s2] =	stream.indirect.scatter.add.f32 [tilespmem:s23], [sflag:$0x3], $0x20, s28, s21, $0xb8;
	[tilespmem:$0xF520] =	vst v63  }
0x57: {  	s30 =	sadd.s32 $0x2, s30;
	s8 =	sadd.s32 $0x100, s28;
	_ =	swait.ge [sflag:s19], $0x1000  }
0x58: {  	s29 =	smov.u32 s10;
	s28 =	smov.u32 s8;
	[sflag:s19] =	ssyncset.done $0x0  }
0x59: {  	s29 =	smov.u32 s10;
	s28 =	smov.u32 s8  }
.LBB2_6:
0x5a: {  	s0 =	sadd.s32 $0xFFFFFF80, s29;
	[sflag:s19] =	ssyncadd.s32 @p1 $0xFFFFF000  }
0x5b: {  	[tilespmem:s23], [sflag:$0x2] =	stream.indirect.gather [spmem:s3], $0x20, s0, s21, $0xb8;
	[tilespmem:$0xF520] =	vst v63  }
0x5c: {  	_ =	swait.ge [sflag:s24], $0x1000  }
0x5d: {  	[sflag:s24] =	ssyncset.done $0x0  }
0x5e: {  	s31 =	sadd.s32 $0xFFFFFF80, s28;
	[sflag:s24] =	ssyncadd.s32 $0xFFFFF000  }
0x5f: {  	[spmem:s2] =	stream.indirect.scatter.add.f32 [tilespmem:s22], [sflag:$0x3], $0x20, s31, s21, $0xb8;
	[tilespmem:$0xF520] =	vst v63  }
0x60: {  	_ =	swait.ge [sflag:s19], $0x1000  }
0x61: {  	p1 =	sge.u32 s30, s5;
	[sflag:s19] =	ssyncset.done $0x0  }
0x62: {  	s0 =	simm.s32 @!p1 $0x80;
	s31 =	simm.s32 @!p1 $0x3800;
	[sflag:s19] =	ssyncadd.s32 $0xFFFFF000  }
0x63: {  	[tilespmem:s31], [sflag:$0x1] =	stream.indirect.gather @!p1 [spmem:s3], $0x20, s29, s0, $0xb8;
	[tilespmem:$0xF520] =	vst v63  }
0x64: {  	_ =	swait.ge [sflag:s25], $0x1000  }
0x65: {  	[sflag:s25] =	ssyncset.done $0x0  }
0x66: {  	[sflag:s25] =	ssyncadd.s32 $0xFFFFF000  }
0x67: {  	[spmem:s2] =	stream.indirect.scatter.add.f32 [tilespmem:s23], [sflag:$0x3], $0x20, s28, s21, $0xb8;
	[tilespmem:$0xF520] =	vst v63  }
0x68: {  	_ =	swait.ge [sflag:s19], $0x1000  }
0x69: {  	[sflag:s19] =	ssyncset.done $0x0  }
0x6a: {  	s31 =	sadd.s32 $0x80, s10;
	[sflag:s19] =	ssyncadd.s32 $0xFFFFF000  }
0x6b: {  	[tilespmem:s23], [sflag:$0x2] =	stream.indirect.gather [spmem:s3], $0x20, s31, s21, $0xb8;
	[tilespmem:$0xF520] =	vst v63  }
0x6c: {  	_ =	swait.ge [sflag:s24], $0x1000  }
0x6d: {  	[sflag:s24] =	ssyncset.done $0x0  }
0x6e: {  	s31 =	sadd.s32 $0x80, s8;
	[sflag:s24] =	ssyncadd.s32 $0xFFFFF000  }
0x6f: {  	[spmem:s2] =	stream.indirect.scatter.add.f32 [tilespmem:s22], [sflag:$0x3], $0x20, s31, s21, $0xb8;
	[tilespmem:$0xF520] =	vst v63  }
0x70: {  	s30 =	sadd.s32 $0x2, s30;
	_ =	swait.ge [sflag:s19], $0x1000  }
0x71: {  	s29 =	sadd.s32 $0x100, s29;
	p1 =	sge.u32 s30, s5;
	[sflag:s19] =	ssyncset.done $0x0  }
0x72: {  	s0 =	simm.s32 @!p1 $0x80;
	s30 =	simm.s32 @!p1 $0x3800;
	[sflag:s19] =	ssyncadd.s32 $0xFFFFF000  }
0x73: {  	[tilespmem:s30], [sflag:$0x1] =	stream.indirect.gather @!p1 [spmem:s3], $0x20, s29, s0, $0xb8;
	[tilespmem:$0xF520] =	vst v63  }
0x74: {  	_ =	swait.ge [sflag:s25], $0x1000  }
0x75: {  	[sflag:s25] =	ssyncset.done $0x0  }
0x76: {  	s31 =	sadd.s32 $0x100, s28;
	[sflag:s25] =	ssyncadd.s32 $0xFFFFF000  }
0x77: {  	[spmem:s2] =	stream.indirect.scatter.add.f32 [tilespmem:s23], [sflag:$0x3], $0x20, s31, s21, $0xb8;
	[tilespmem:$0xF520] =	vst v63  }
0x78: {  	_ =	swait.ge [sflag:s19], $0x1000  }
0x79: {  	[sflag:s19] =	ssyncset.done $0x0  }
0x7a: {  	s26 =	sadd.s32 $0x1, s26;
	[sflag:s19] =	ssyncadd.s32 $0xFFFFF000  }
0x7b: {  	p1 =	sne.s32 s26, s16;
	[bflag:$0x0] =	sbarrier.arrive $0xFFFF  }
0x7c: {  	[hbm:s15], [sflag:s7] =	dma.local [spmem:s18], $0x9E0  }
.Ltmp3:
0x7d: {  	_ = 	snop;
	(pc) =	sbr.rel @p1 .LBB2_1-.Ltmp3, $4  }
.Ltmp4:
0x7e: {  	_ = 	snop;
	(pc) =	sbr.rel @!p1 .LBB2_7-.Ltmp4, $4  }
0x7f: {  	_ =	swait.ge [sflag:s19], $0x9E0  }
0x80: {  	[sflag:s19] =	ssyncset.done $0x0  }
0x81: {  	[sflag:s19] =	ssyncadd.s32 $0xFFFFF620  }
0x82: {  	_ = 	snop  }
.LBB2_2:
.Ltmp5:
0x83: {  	(pc) =	sbr.rel .LBB2_6-.Ltmp5, $2  }
0x84: {  	_ =	sdelay $0x2  }
0x85: {  	s30 =	simm.s32 $0x2  }
.LBB2_7:
0x86: {  	_ =	sfence.sel $0x180000  }
0x87: {  	[bflag:$0x0] =	sbarrier.arrive $0xFFFF  }
0x88: {  	_ =	strace $0x9000004A  }
0x89: {  	[bflag:$0x2] =	sbarrier.arrive $0xFFFF  }
0x8a: {  	p0 =	sne.s32 s1, $0x0;
	s0 =	rddreg [dreg:$0x3]  }
0x8b: {  	s0 =	sadd.s32 @!p0 $0x100000, s0  }
0x8c: {  	[sflag:s0] =	ssyncadd.tile.s32 @!p0 $0x1;
	_ =	shalt  }
.Lfunc_end2:
_tile_overlayer_lowered:
.L_overlay_start_2:
0x8d: {  	(tag) =	ssettag $0x2  }
0x8e: {  	s0 =	rddreg [dreg:$0x0];
	s2 =	stileid.u32  }
0x8f: {  	s1 =	rddreg [dreg:$0x1];
	p0 =	sne.s32 s2, $0x0  }
0x90: {  	s3 =	rddreg [dreg:$0x2];
	[bflag:$0x3] =	sbarrier.arrive $0xFFFF;
	s2 =	simm.s32 @!p0 $0x1C03  }
0x91: {  	[timem:s3], [sflag:s2] =	dma.local @!p0 [hbm:s0], s1  }
0x92: {  	s0 =	simm.s32 @!p0 $0x3  }
0x93: {  	_ =	swait.ge @!p0 [sflag:s0], s1  }
0x94: {  	s1 =	ssub.s32 @!p0 $0x0, s1;
	[sflag:s0] =	ssyncset.done @!p0 $0x0  }
0x95: {  	[sflag:s0] =	ssyncadd.s32 @!p0 s1  }
0x96: {  	[bflag:$0x3] =	sbarrier.arrive $0xFFFF  }
0x97: {  	_ =	shalt  }

// kernel: kernel.7.cloned.1.call-start
scs
__scs_entry_jumppad:
0x0: {  	(pc) =	sbr.rel $0x88, $3  }
0x1: {  	(tag) =	ssettag $0x0;
	lr =	simm.s32 $0x1  }
0x2: {  	[smem:$0x3F97] =	sst lr;
	_ =	strace $0xD0000000  }
0x3: {  	_ = 	snop  }
0x4: {  	_ = 	snop  }
0x5: {  	_ = 	snop  }
0x6: {  	_ = 	snop  }
0x7: {  	_ = 	snop  }
__scs_overlays_trampoline_lowered:
0x8: {  	[smem:$0x3FA6] =	sst s0  }
0x9: {  	[smem:$0x3FA7] =	sst s1  }
0xa: {  	[smem:$0x3FA8] =	sst s2  }
0xb: {  	[smem:$0x3FA9] =	sst s3  }
0xc: {  	[smem:$0x3FAA] =	sst s4  }
0xd: {  	[smem:$0x3FAB] =	sst s5  }
0xe: {  	[smem:$0x3FAC] =	sst s6  }
0xf: {  	[smem:$0x3FAD] =	sst s7  }
0x10: {  	[smem:$0x3FAE] =	sst s8  }
0x11: {  	[smem:$0x3FAF] =	sst s9;
	s0 =	simm.s32 @!p0 $0x0  }
0x12: {  	s1 =	sld [smem:$0x3F95];
	s0 =	simm.s32 @p0 $0x1  }
0x13: {  	[smem:$0x3FB0] =	sst s0;
	s0 =	simm.s32 @!p1 $0x0  }
0x14: {  	s2 =	sld [smem:$0x3F94];
	s0 =	simm.s32 @p1 $0x1  }
0x15: {  	[smem:$0x3FB1] =	sst s0;
	s0 =	simm.s32 @!p2 $0x0  }
0x16: {  	s3 =	sld [smem:$0x3FDB];
	s0 =	simm.s32 @p2 $0x1  }
0x17: {  	s4 =	simm.s32 $0x1BF5;
	[smem:$0x3FB3] =	sst s0  }
0x18: {  	s0 =	sld [smem:$0x3F96];
	_ =	swait.ge [sflag:s4], $0x0  }
0x19: {  	s7 =	sld [smem:$0x3F97]  }
0x1a: {  	s8 =	sadd.s32 $0xFFFFE003, lr  }
0x1b: {  	s9 =	sadd.s32 $0xFFFFFEF7, lr;
	s5 =	simm.s32 $0xFFFFFFFF;
	p2 =	slt.u32 s8, $0xFFFFF086  }
0x1c: {  	p1 =	slt.u32 s9, $0xF7A;
	s5 =	simm.s32 @!p2 $0x0  }
0x1d: {  	s5 =	simm.s32 @p1 $0x1;
	p0 =	seq.s32 s7, s2  }
0x1e: {  	s7 =	smul.u32 @!p0 $0xF7A, s2;
	p2 =	seq.s32 @!p0 s5, $0x0  }
0x1f: {  	s9 =	smul.u32 $0xF7A, s1;
	s8 =	simm.s32 @!p0 $0x1BF5;
	p2 =	por !p2, p0  }
0x20: {  	[sflag:s8] =	ssyncset.s32 @!p0 $0xFFFFF086;
	s6 =	sadd.s32 @!p0 s3, s7;
	s7 =	simm.s32 @!p0 $0x108  }
0x21: {  	s3 =	sadd.s32 s3, s9;
	s6 =	sadd.s32 @!p0 $0x88, s6;
	s7 =	simm.s32 @p2 $0x1082  }
0x22: {  	[simem:s7], [sflag:s8] =	dma.local @!p0 [hbm:s6], $0xF7A  }
0x23: {  	s9 =	sor.u32 $0xD0000000, s2;
	s6 =	simm.s32 $0x108;
	_ =	swait.ge @!p0 [sflag:s8], $0x0  }
0x24: {  	s3 =	sadd.s32 $0x88, s3;
	s6 =	simm.s32 @!p1 $0x1082;
	[sflag:s4] =	ssyncset.s32 $0xFFFFF086  }
0x25: {  	[simem:s6], [sflag:s4] =	dma.local [hbm:s3], $0xF7A  }
0x26: {  	[smem:$0x3F97] =	sst s1;
	(tag) =	ssettag s2;
	_ =	strace s9  }
0x27: {  	s1 =	sld [smem:$0x3FA7]  }
0x28: {  	s2 =	sld [smem:$0x3FA8]  }
0x29: {  	s4 =	sld [smem:$0x3FAA]  }
0x2a: {  	p0 =	seq.s32 s5, $0x0;
	s5 =	sld [smem:$0x3FAB]  }
0x2b: {  	s6 =	sld [smem:$0x3FAC]  }
0x2c: {  	s7 =	sld [smem:$0x3FAD]  }
0x2d: {  	s3 =	simm.s32 $0x108;
	s8 =	sld [smem:$0x3FAE]  }
0x2e: {  	s3 =	simm.s32 @!p0 $0x1082;
	s9 =	sld [smem:$0x3FAF]  }
0x2f: {  	lr =	sadd.s32 s0, s3;
	s0 =	sld [smem:$0x3FA6]  }
0x30: {  	s3 =	sld [smem:$0x3FA9]  }
0x31: {  	[smem:$0x3FB2] =	sst s10  }
0x32: {  	s10 =	sld [smem:$0x3FB0];
	_ =	sdelay $0x3  }
0x33: {  	p0 =	seq.s32 s10, $0x1;
	s10 =	sld [smem:$0x3FB2];
	_ =	sdelay $0x3  }
0x34: {  	[smem:$0x3FB2] =	sst s10  }
0x35: {  	s10 =	sld [smem:$0x3FB1];
	_ =	sdelay $0x3  }
0x36: {  	p1 =	seq.s32 s10, $0x1;
	s10 =	sld [smem:$0x3FB2];
	_ =	sdelay $0x3  }
0x37: {  	[smem:$0x3FB2] =	sst s10  }
0x38: {  	s10 =	sld [smem:$0x3FB3]  }
0x39: {  	_ = 	snop;
	(pc) =	sbr.ind lr, $3  }
0x3a: {  	_ = 	snop  }
0x3b: {  	_ = 	snop  }
0x3c: {  	p2 =	seq.s32 s10, $0x1;
	s10 =	sld [smem:$0x3FB2]  }
0x3d: {  	_ =	shalt  }
0x3e: {  	_ =	shalt  }
0x3f: {  	_ =	shalt  }
0x40: {  	_ =	shalt  }
0x41: {  	_ =	shalt  }
0x42: {  	_ =	shalt  }
0x43: {  	_ =	shalt  }
0x44: {  	_ =	shalt  }
0x45: {  	_ =	shalt  }
0x46: {  	_ =	shalt  }
0x47: {  	_ =	shalt  }
0x48: {  	_ =	shalt  }
0x49: {  	_ =	shalt  }
0x4a: {  	_ =	shalt  }
0x4b: {  	_ =	shalt  }
0x4c: {  	_ =	shalt  }
0x4d: {  	_ =	shalt  }
0x4e: {  	_ =	shalt  }
0x4f: {  	_ =	shalt  }
0x50: {  	_ =	shalt  }
0x51: {  	_ =	shalt  }
0x52: {  	_ =	shalt  }
0x53: {  	_ =	shalt  }
0x54: {  	_ =	shalt  }
0x55: {  	_ =	shalt  }
0x56: {  	_ =	shalt  }
0x57: {  	_ =	shalt  }
0x58: {  	_ =	shalt  }
0x59: {  	_ =	shalt  }
0x5a: {  	_ =	shalt  }
0x5b: {  	_ =	shalt  }
0x5c: {  	_ =	shalt  }
0x5d: {  	_ =	shalt  }
0x5e: {  	_ =	shalt  }
0x5f: {  	_ =	shalt  }
0x60: {  	_ =	shalt  }
0x61: {  	_ =	shalt  }
0x62: {  	_ =	shalt  }
0x63: {  	_ =	shalt  }
0x64: {  	_ =	shalt  }
0x65: {  	_ =	shalt  }
0x66: {  	_ =	shalt  }
0x67: {  	_ =	shalt  }
0x68: {  	_ =	shalt  }
0x69: {  	_ =	shalt  }
0x6a: {  	_ =	shalt  }
0x6b: {  	_ =	shalt  }
0x6c: {  	_ =	shalt  }
0x6d: {  	_ =	shalt  }
0x6e: {  	_ =	shalt  }
0x6f: {  	_ =	shalt  }
0x70: {  	_ =	shalt  }
0x71: {  	_ =	shalt  }
0x72: {  	_ =	shalt  }
0x73: {  	_ =	shalt  }
0x74: {  	_ =	shalt  }
0x75: {  	_ =	shalt  }
0x76: {  	_ =	shalt  }
0x77: {  	_ =	shalt  }
0x78: {  	_ =	shalt  }
0x79: {  	_ =	shalt  }
0x7a: {  	_ =	shalt  }
0x7b: {  	_ =	shalt  }
0x7c: {  	_ =	shalt  }
0x7d: {  	_ =	shalt  }
0x7e: {  	_ =	shalt  }
0x7f: {  	_ =	shalt  }
0x80: {  	_ =	shalt  }
0x81: {  	_ =	shalt  }
0x82: {  	_ =	shalt  }
0x83: {  	_ =	shalt  }
0x84: {  	_ =	shalt  }
0x85: {  	_ =	shalt  }
0x86: {  	_ =	shalt  }
0x87: {  	_ =	shalt  }
.Lfunc_end0:
.L_simem_size_0:
called_computation_lowered:
.L_overlay_start_0:
0x88: {  	s2 =	sld [smem:$0x3FD9]  }
0x89: {  	s3 =	sld [smem:$0x3FFE];
	_ =	sdelay $0x1  }
0x8a: {  	s1 =	srdreg.scid  }
0x8b: {  	s0 =	sand.u32 $0x1, s1  }
0x8c: {  	s16 =	sshll.u32 s0, $0xA;
	s2 =	sadd.s32 s3, s2  }
0x8d: {  	s2 =	sadd.s32 s2, s16  }
0x8e: {  	[smem:$0x3FBE] =	sst s2  }
0x8f: {  	_ = 	snop  }
0x90: {  	(tm) =	ssettm $0x1  }
0x91: {  	s17 =	sld [smem:$0x3FFB];
	_ =	sdelay $0x3  }
0x92: {  	_ =	strace s17  }
0x93: {  	s2 =	sld [smem:$0x3FFC];
	_ =	sdelay $0x3  }
0x94: {  	_ =	strace s2  }
0x95: {  	s2 =	sld [smem:$0x3FFD];
	_ =	sdelay $0x3  }
0x96: {  	_ =	strace s2  }
0x97: {  	_ =	strace $0x8FFFFFFF  }
0x98: {  	s18 =	sld [smem:$0x3FDB];
	_ =	sdelay $0x1  }
0x99: {  	s19 =	simm.s32 $_scs_section_size  }
0x9a: {  	s4 =	simm.s32 $_size__tile_overlayer_lowered;
	s5 =	simm.s32 $_tile_overlayer_lowered  }
0x9b: {  	s22 =	simm.s32 $0x1BFF;
	s21 =	sshll.u32 s5, $0x1;
	s2 =	sadd.s32 s19, s18  }
0x9c: {  	s6 =	simm.s32 $0x0;
	s20 =	sshll.u32 s4, $0x1;
	s4 =	sadd.s32 s21, s2  }
0x9d: {  	[timem:s6], [sflag:s22] =	dma.local [hbm:s4], s20  }
0x9e: {  	_ =	swait.ge [sflag:s22], s20  }
0x9f: {  	s3 =	ssub.s32 $0x0, s20;
	[sflag:s22] =	ssyncset.done $0x0  }
0xa0: {  	[sflag:s22] =	ssyncadd.s32 s3;
	_ =	sdelay $0x1  }
0xa1: {  	s23 =	simm.s32 $0x1B8B  }
0xa2: {  	_ =	swait.ge [sflag:s23], $0x1  }
0xa3: {  	[sflag:s23] =	ssyncset.done $0x0  }
0xa4: {  	s25 =	simm.s32 $0x1B8E;
	s24 =	sld [smem:$0x3FFE];
	[sflag:s23] =	ssyncadd.s32 $0xFFFFFFFF  }
0xa5: {  	s26 =	simm.s32 $execute0_lowered;
	[smem:$0x3FD2] =	sst s25  }
0xa6: {  	s4 =	sshll.u32 s26, $0x1;
	_ =	strace $0x80000046;
	[dreg:$0x1] =	wrdreg $0xFFFFFFFF  }
0xa7: {  	s28 =	simm.s32 $_size_execute0_lowered;
	s2 =	sadd.s32 s2, s4;
	[dreg:$0x0] =	wrdreg $0x0  }
0xa8: {  	s4 =	sshll.u32 s28, $0x1;
	[dreg:$0x2] =	wrdreg s2  }
0xa9: {  	[dreg:$0x3] =	wrdreg s4  }
0xaa: {  	[dreg:$0x4] =	wrdreg $0xC0  }
0xab: {  	_ =	task [dreg:s6], $0x5FFFF  }
0xac: {  	[dreg:$0x1] =	wrdreg $0xFFFFFFFF  }
0xad: {  	[dreg:$0x0] =	wrdreg $0x60  }
0xae: {  	[dreg:$0x2] =	wrdreg s24  }
0xaf: {  	[dreg:$0x3] =	wrdreg $0x68000  }
0xb0: {  	[dreg:$0x4] =	wrdreg $0xDE800  }
0xb1: {  	[dreg:$0x5] =	wrdreg $0x9  }
0xb2: {  	_ =	task.clear_ibuf [dreg:s6], $0x6FFFF;
	_ =	strace $0x90000046  }
0xb3: {  	s29 =	simm.s32 $0x9;
	_ =	strace $0x80000048  }
0xb4: {  	_ =	swait.ge [sflag:s29], $0x1  }
0xb5: {  	[sflag:s29] =	ssyncadd.s32 $0xFFFFFFFF  }
0xb6: {  	_ =	strace $0x90000048  }
0xb7: {  	_ =	sfence  }
0xb8: {  	s30 =	sld [smem:$0x0];
	_ =	sdelay $0x2  }
0xb9: {  	s31 =	sshll.u32 s1, $0xD;
	s1 =	sshrl.u32 s1, $0x2  }
0xba: {  	s3 =	sand.u32 $0x4000, s31;
	s1 =	sadd.s32 s1, s30  }
0xbb: {  	s0 =	sor.u32 s3, s0;
	s1 =	sshll.u32 s1, $0x11  }
0xbc: {  	s0 =	sor.u32 s1, s0  }
0xbd: {  	s0 =	sadd.s32 $0x8F2B, s0  }
0xbe: {  	[sflag:s0] =	ssyncadd.remote.s32 $0x1  }
0xbf: {  	_ =	sfence.sel $0xFFFF  }
0xc0: {  	[dreg:$0x0] =	wrdreg $0xFFFFFFFF;
	(pc) =	sbr.abs _section_cstart, $3  }
0xc1: {  	[dreg:$0x1] =	wrdreg $0xFFFFFFFF  }
0xc2: {  	_ =	task.clear_ibuf [dreg:s6], $0x2FFFF;
	_ =	strace $0x9FFFFFFF  }
0xc3: {  	(tm) =	ssettm $0x7FFFFFFF  }
tec
execute0_lowered:
.L_overlay_start_1:
0x0: {  	(tag) =	ssettag $0x1  }
0x1: {  	s5 =	rddreg [dreg:$0x0]  }
0x2: {  	s2 =	rddreg [dreg:$0x1]  }
0x3: {  	s3 =	rddreg [dreg:$0x2]  }
0x4: {  	s1 =	stileid.u32;
	s6 =	srdreg.scid;
	s4 =	simm.s32 $0x0  }
0x5: {  	s22 =	simm.s32 $0x3800;
	s23 =	simm.s32 $0x5000;
	s9 =	smul.u32 $0x7530, s1  }
0x6: {  	s24 =	simm.s32 $0x1;
	s25 =	simm.s32 $0x2;
	s7 =	smul.u32 $0x7680, s1  }
0x7: {  	s6 =	sand.u32 $0x1, s6;
	[smem:$0x7FF] =	sst s4;
	s13 =	sadd.s32 $0x14A00, s5  }
0x8: {  	s14 =	sadd.s32 $0xFA00, s5;
	s17 =	smul.u32 $0x38, s1;
	s28 =	sshll.u32 s1, $0x6  }
0x9: {  	s12 =	smul.u32 $0x76800, s6;
	_ =	strace $0x80000047;
	s16 =	ssub.s32 $0x2, s6  }
0xa: {  	p0 =	seq.s32 s6, $0x0;
	s11 =	sshrl.u32 s9, $0x3;
	s15 =	sshrl.u32 s7, $0x3  }
0xb: {  	s26 =	sshrl.u32 s16, $0x1;
	s17 =	sadd.s32 $0x180, s17;
	s20 =	sadd.s32 s7, s2  }
0xc: {  	s21 =	sadd.s32 s9, s3;
	s11 =	sadd.s32 s11, s5;
	s12 =	sadd.s32 s7, s12  }
0xd: {  	s15 =	sadd.s32 s15, s5;
	s16 =	ssub.s32 s16, s26;
	s19 =	sshll.u32 s17, $0x4  }
0xe: {  	s7 =	sor.u32 $0x1C03, s28;
	s26 =	simm.s32 $0x0;
	s12 =	sshrl.u32 s12, $0x3  }
0xf: {  	s6 =	sadd.s32 $0x19A00, s15;
	s30 =	sadd.s32 $0x180, s19;
	s9 =	sadd.s32 $0xE00, s11  }
0x10: {  	s16 =	smax.u32 s16, $0x1;
	s18 =	sadd.s32 s12, s5;
	s5 =	simm.s32 $0x18  }
0x11: {  	s19 =	simm.s32 $0x3;
	s12 =	smul.u32 $0x18, s1;
	s5 =	simm.s32 @!p0 $0x38  }
0x12: {  	s15 =	sadd.s32 $0x28800, s18;
	s18 =	sshrl.u32 s20, $0x3;
	s20 =	sshrl.u32 s21, $0x3  }
0x13: {  	s21 =	simm.s32 $0x80;
	s17 =	smov.u32 @p0 s12;
	s31 =	sshrl.u32 s5, $0x1  }
0x14: {  	s12 =	sadd.s32 s13, s30;
	s29 =	sshll.u32 s17, $0x4;
	s17 =	sadd.s32 $0xFFFFFFFF, s31  }
0x15: {  	s11 =	sadd.s32 s13, s29;
	s13 =	sadd.s32 s14, s29;
	s14 =	sadd.s32 s14, s30  }
.LBB2_1:
0x16: {  	[spmem:s18], [sflag:s7] =	dma.local [hbm:s6], $0xED0  }
0x17: {  	_ =	swait.ge [sflag:s19], $0xED0  }
0x18: {  	[sflag:s19] =	ssyncset.done $0x0  }
0x19: {  	[sflag:s19] =	ssyncadd.s32 $0xFFFFF130  }
0x1a: {  	[spmem:s20], [sflag:s7] =	dma.local [hbm:s9], $0xEA6  }
0x1b: {  	_ =	swait.ge [sflag:s19], $0xEA6  }
0x1c: {  	[sflag:s19] =	ssyncset.done $0x0  }
0x1d: {  	[sflag:s19] =	ssyncadd.s32 $0xFFFFF15A  }
0x1e: {  	[tilespmem:s4], [sflag:$0x3] =	stream.linear.gather [hbm4b:s11+s4], $0xC00, $0x38;
	[tilespmem:$0x153B0] =	vst v63  }
0x1f: {  	_ =	swait.ge [sflag:s19], $0xC00  }
0x20: {  	[sflag:s19] =	ssyncset.done $0x0  }
0x21: {  	s28 =	simm.s32 @p0 $0x0;
	s29 =	simm.s32 @p0 $0x1C00;
	[sflag:s19] =	ssyncadd.s32 $0xFFFFF400  }
0x22: {  	[tilespmem:s29], [sflag:$0x3] =	stream.linear.gather @p0 [hbm4b:s13+s28], $0xC00, $0x38;
	[tilespmem:$0x153B0] =	vst v63  }
0x23: {  	s28 =	simm.s32 @p0 $0x3  }
0x24: {  	_ =	swait.ge @p0 [sflag:s28], $0xC00  }
0x25: {  	[sflag:s28] =	ssyncset.done @p0 $0x0  }
0x26: {  	s29 =	simm.s32 @!p0 $0xC00;
	[sflag:s28] =	ssyncadd.s32 @p0 $0xFFFFF400;
	s28 =	simm.s32 @!p0 $0x0  }
0x27: {  	[tilespmem:s29], [sflag:$0x3] =	stream.linear.gather @!p0 [hbm4b:s12+s28], $0x1000, $0x38;
	[tilespmem:$0x153B0] =	vst v63  }
0x28: {  	s29 =	simm.s32 @!p0 $0x3  }
0x29: {  	_ =	swait.ge @!p0 [sflag:s29], $0x1000  }
0x2a: {  	[sflag:s29] =	ssyncset.done @!p0 $0x0  }
0x2b: {  	s30 =	simm.s32 @!p0 $0x1C00;
	[sflag:s29] =	ssyncadd.s32 @!p0 $0xFFFFF000  }
0x2c: {  	[tilespmem:s30], [sflag:$0x3] =	stream.linear.gather @!p0 [hbm4b:s13+s28], $0xC00, $0x38;
	[tilespmem:$0x153B0] =	vst v63  }
0x2d: {  	_ =	swait.ge @!p0 [sflag:s29], $0xC00  }
0x2e: {  	[sflag:s29] =	ssyncset.done @!p0 $0x0  }
0x2f: {  	s30 =	simm.s32 @!p0 $0x2800;
	[sflag:s29] =	ssyncadd.s32 @!p0 $0xFFFFF400  }
0x30: {  	[tilespmem:s30], [sflag:$0x3] =	stream.linear.gather @!p0 [hbm4b:s14+s28], $0x1000, $0x38;
	[tilespmem:$0x153B0] =	vst v63  }
0x31: {  	s30 =	sadd.s32 $0xFFFFFFFF, s17  }
0x32: {  	p2 =	sne.s32 s30, $0x0  }
.Ltmp0:
0x33: {  	_ =	swait.ge @!p0 [sflag:s29], $0x1000;
	(pc) =	sbr.rel @!p2 .LBB2_2-.Ltmp0, $4  }
0x34: {  	[sflag:s29] =	ssyncset.done @!p0 $0x0  }
0x35: {  	p1 =	por $0x0, $0x0;
	[sflag:s29] =	ssyncadd.s32 @!p0 $0xFFFFF000  }
0x36: {  	s28 =	simm.s32 $0x1C80;
	s29 =	simm.s32 $0x100;
	[bflag:$0x0] =	sbarrier.arrive $0xFFFF  }
0x37: {  	[tilespmem:s22], [sflag:$0x1] =	stream.indirect.gather [spmem:s3], $0x30, s4, s21, $0xb8;
	[tilespmem:$0x153B0] =	vst v63  }
0x38: {  	s31 =	simm.s32 $0x80  }
0x39: {  	[tilespmem:s23], [sflag:$0x2] =	stream.indirect.gather [spmem:s3], $0x30, s31, s21, $0xb8;
	[tilespmem:$0x153B0] =	vst v63  }
0x3a: {  	_ =	swait.ge [sflag:s24], $0x1800  }
0x3b: {  	[sflag:s24] =	ssyncset.done $0x0  }
0x3c: {  	s31 =	simm.s32 $0x1C00;
	[sflag:s24] =	ssyncadd.s32 $0xFFFFE800  }
0x3d: {  	[spmem:s2] =	stream.indirect.scatter.add.f32 [tilespmem:s22], [sflag:$0x3], $0x30, s31, s21, $0xb8;
	[tilespmem:$0x153B0] =	vst v63  }
0x3e: {  	_ =	swait.ge [sflag:s19], $0x1800  }
0x3f: {  	p1 =	sle.u32 s5, $0x2;
	[sflag:s19] =	ssyncset.done $0x0  }
0x40: {  	s0 =	simm.s32 @!p1 $0x3800;
	s31 =	simm.s32 @!p1 $0x80;
	[sflag:s19] =	ssyncadd.s32 $0xFFFFE800  }
0x41: {  	[tilespmem:s0], [sflag:$0x1] =	stream.indirect.gather @!p1 [spmem:s3], $0x30, s29, s31, $0xb8;
	[tilespmem:$0x153B0] =	vst v63  }
0x42: {  	s31 =	sadd.s32 $0xFFFFFFFF, s30  }
0x43: {  	_ =	swait.ge [sflag:s25], $0x1800;
	p2 =	sne.s32 s31, $0x0  }
.Ltmp1:
0x44: {  	[sflag:s25] =	ssyncset.done $0x0;
	(pc) =	sbr.rel @!p2 .LBB2_6-.Ltmp1, $4  }
0x45: {  	[sflag:s25] =	ssyncadd.s32 $0xFFFFE800  }
0x46: {  	[spmem:s2] =	stream.indirect.scatter.add.f32 [tilespmem:s23], [sflag:$0x3], $0x30, s28, s21, $0xb8;
	[tilespmem:$0x153B0] =	vst v63  }
0x47: {  	s29 =	simm.s32 $0x200;
	s30 =	simm.s32 $0x4;
	_ =	swait.ge [sflag:s19], $0x1800  }
0x48: {  	p1 =	por $0x1, $0x1;
	s28 =	simm.s32 $0x1D80;
	[sflag:s19] =	ssyncset.done $0x0  }
.LBB2_4:
0x49: {  	s31 =	sadd.s32 $0xFFFFFFFF, s31;
	s0 =	sadd.s32 $0xFFFFFF80, s29;
	[sflag:s19] =	ssyncadd.s32 $0xFFFFE800  }
0x4a: {  	[tilespmem:s23], [sflag:$0x2] =	stream.indirect.gather [spmem:s3], $0x30, s0, s21, $0xb8;
	[tilespmem:$0x153B0] =	vst v63  }
0x4b: {  	p2 =	sne.s32 s31, $0x0;
	_ =	swait.ge [sflag:s24], $0x1800  }
0x4c: {  	[sflag:s24] =	ssyncset.done $0x0  }
0x4d: {  	s0 =	sadd.s32 $0xFFFFFF80, s28;
	[sflag:s24] =	ssyncadd.s32 $0xFFFFE800  }
0x4e: {  	[spmem:s2] =	stream.indirect.scatter.add.f32 [tilespmem:s22], [sflag:$0x3], $0x30, s0, s21, $0xb8;
	[tilespmem:$0x153B0] =	vst v63  }
0x4f: {  	_ =	swait.ge [sflag:s19], $0x1800  }
0x50: {  	p3 =	sge.u32 s30, s5;
	[sflag:s19] =	ssyncset.done $0x0  }
0x51: {  	s8 =	simm.s32 @!p3 $0x3800;
	s0 =	simm.s32 @!p3 $0x80;
	[sflag:s19] =	ssyncadd.s32 $0xFFFFE800  }
0x52: {  	[tilespmem:s8], [sflag:$0x1] =	stream.indirect.gather @!p3 [spmem:s3], $0x30, s29, s0, $0xb8;
	[tilespmem:$0x153B0] =	vst v63  }
0x53: {  	_ =	swait.ge [sflag:s25], $0x1800  }
.Ltmp2:
0x54: {  	[sflag:s25] =	ssyncset.done $0x0;
	(pc) =	sbr.rel @p2 .LBB2_4-.Ltmp2, $4  }
0x55: {  	s10 =	sadd.s32 $0x100, s29;
	[sflag:s25] =	ssyncadd.s32 $0xFFFFE800  }
0x56: {  	[spmem:s2] =	stream.indirect.scatter.add.f32 [tilespmem:s23], [sflag:$0x3], $0x30, s28, s21, $0xb8;
	[tilespmem:$0x153B0] =	vst v63  }
0x57: {  	s30 =	sadd.s32 $0x2, s30;
	s8 =	sadd.s32 $0x100, s28;
	_ =	swait.ge [sflag:s19], $0x1800  }
0x58: {  	s29 =	smov.u32 s10;
	s28 =	smov.u32 s8;
	[sflag:s19] =	ssyncset.done $0x0  }
0x59: {  	s29 =	smov.u32 s10;
	s28 =	smov.u32 s8  }
.LBB2_6:
0x5a: {  	s0 =	sadd.s32 $0xFFFFFF80, s29;
	[sflag:s19] =	ssyncadd.s32 @p1 $0xFFFFE800  }
0x5b: {  	[tilespmem:s23], [sflag:$0x2] =	stream.indirect.gather [spmem:s3], $0x30, s0, s21, $0xb8;
	[tilespmem:$0x153B0] =	vst v63  }
0x5c: {  	_ =	swait.ge [sflag:s24], $0x1800  }
0x5d: {  	[sflag:s24] =	ssyncset.done $0x0  }
0x5e: {  	s31 =	sadd.s32 $0xFFFFFF80, s28;
	[sflag:s24] =	ssyncadd.s32 $0xFFFFE800  }
0x5f: {  	[spmem:s2] =	stream.indirect.scatter.add.f32 [tilespmem:s22], [sflag:$0x3], $0x30, s31, s21, $0xb8;
	[tilespmem:$0x153B0] =	vst v63  }
0x60: {  	_ =	swait.ge [sflag:s19], $0x1800  }
0x61: {  	p1 =	sge.u32 s30, s5;
	[sflag:s19] =	ssyncset.done $0x0  }
0x62: {  	s0 =	simm.s32 @!p1 $0x80;
	s31 =	simm.s32 @!p1 $0x3800;
	[sflag:s19] =	ssyncadd.s32 $0xFFFFE800  }
0x63: {  	[tilespmem:s31], [sflag:$0x1] =	stream.indirect.gather @!p1 [spmem:s3], $0x30, s29, s0, $0xb8;
	[tilespmem:$0x153B0] =	vst v63  }
0x64: {  	_ =	swait.ge [sflag:s25], $0x1800  }
0x65: {  	[sflag:s25] =	ssyncset.done $0x0  }
0x66: {  	[sflag:s25] =	ssyncadd.s32 $0xFFFFE800  }
0x67: {  	[spmem:s2] =	stream.indirect.scatter.add.f32 [tilespmem:s23], [sflag:$0x3], $0x30, s28, s21, $0xb8;
	[tilespmem:$0x153B0] =	vst v63  }
0x68: {  	_ =	swait.ge [sflag:s19], $0x1800  }
0x69: {  	[sflag:s19] =	ssyncset.done $0x0  }
0x6a: {  	s31 =	sadd.s32 $0x80, s10;
	[sflag:s19] =	ssyncadd.s32 $0xFFFFE800  }
0x6b: {  	[tilespmem:s23], [sflag:$0x2] =	stream.indirect.gather [spmem:s3], $0x30, s31, s21, $0xb8;
	[tilespmem:$0x153B0] =	vst v63  }
0x6c: {  	_ =	swait.ge [sflag:s24], $0x1800  }
0x6d: {  	[sflag:s24] =	ssyncset.done $0x0  }
0x6e: {  	s31 =	sadd.s32 $0x80, s8;
	[sflag:s24] =	ssyncadd.s32 $0xFFFFE800  }
0x6f: {  	[spmem:s2] =	stream.indirect.scatter.add.f32 [tilespmem:s22], [sflag:$0x3], $0x30, s31, s21, $0xb8;
	[tilespmem:$0x153B0] =	vst v63  }
0x70: {  	s30 =	sadd.s32 $0x2, s30;
	_ =	swait.ge [sflag:s19], $0x1800  }
0x71: {  	s29 =	sadd.s32 $0x100, s29;
	p1 =	sge.u32 s30, s5;
	[sflag:s19] =	ssyncset.done $0x0  }
0x72: {  	s0 =	simm.s32 @!p1 $0x80;
	s30 =	simm.s32 @!p1 $0x3800;
	[sflag:s19] =	ssyncadd.s32 $0xFFFFE800  }
0x73: {  	[tilespmem:s30], [sflag:$0x1] =	stream.indirect.gather @!p1 [spmem:s3], $0x30, s29, s0, $0xb8;
	[tilespmem:$0x153B0] =	vst v63  }
0x74: {  	_ =	swait.ge [sflag:s25], $0x1800  }
0x75: {  	[sflag:s25] =	ssyncset.done $0x0  }
0x76: {  	s31 =	sadd.s32 $0x100, s28;
	[sflag:s25] =	ssyncadd.s32 $0xFFFFE800  }
0x77: {  	[spmem:s2] =	stream.indirect.scatter.add.f32 [tilespmem:s23], [sflag:$0x3], $0x30, s31, s21, $0xb8;
	[tilespmem:$0x153B0] =	vst v63  }
0x78: {  	_ =	swait.ge [sflag:s19], $0x1800  }
0x79: {  	[sflag:s19] =	ssyncset.done $0x0  }
0x7a: {  	s26 =	sadd.s32 $0x1, s26;
	[sflag:s19] =	ssyncadd.s32 $0xFFFFE800  }
0x7b: {  	p1 =	sne.s32 s26, s16;
	[bflag:$0x0] =	sbarrier.arrive $0xFFFF  }
0x7c: {  	[hbm:s15], [sflag:s7] =	dma.local [spmem:s18], $0xED0  }
.Ltmp3:
0x7d: {  	_ = 	snop;
	(pc) =	sbr.rel @p1 .LBB2_1-.Ltmp3, $4  }
.Ltmp4:
0x7e: {  	_ = 	snop;
	(pc) =	sbr.rel @!p1 .LBB2_7-.Ltmp4, $4  }
0x7f: {  	_ =	swait.ge [sflag:s19], $0xED0  }
0x80: {  	[sflag:s19] =	ssyncset.done $0x0  }
0x81: {  	[sflag:s19] =	ssyncadd.s32 $0xFFFFF130  }
0x82: {  	_ = 	snop  }
.LBB2_2:
.Ltmp5:
0x83: {  	(pc) =	sbr.rel .LBB2_6-.Ltmp5, $2  }
0x84: {  	_ =	sdelay $0x2  }
0x85: {  	s30 =	simm.s32 $0x2  }
.LBB2_7:
0x86: {  	_ =	sfence.sel $0x180000  }
0x87: {  	[bflag:$0x0] =	sbarrier.arrive $0xFFFF  }
0x88: {  	_ =	strace $0x90000047  }
0x89: {  	[bflag:$0x2] =	sbarrier.arrive $0xFFFF  }
0x8a: {  	p0 =	sne.s32 s1, $0x0;
	s0 =	rddreg [dreg:$0x3]  }
0x8b: {  	s0 =	sadd.s32 @!p0 $0x100000, s0  }
0x8c: {  	[sflag:s0] =	ssyncadd.tile.s32 @!p0 $0x1;
	_ =	shalt  }
.Lfunc_end2:
_tile_overlayer_lowered:
.L_overlay_start_2:
0x8d: {  	(tag) =	ssettag $0x2  }
0x8e: {  	s0 =	rddreg [dreg:$0x0];
	s2 =	stileid.u32  }
0x8f: {  	s1 =	rddreg [dreg:$0x1];
	p0 =	sne.s32 s2, $0x0  }
0x90: {  	s3 =	rddreg [dreg:$0x2];
	[bflag:$0x3] =	sbarrier.arrive $0xFFFF;
	s2 =	simm.s32 @!p0 $0x1C03  }
0x91: {  	[timem:s3], [sflag:s2] =	dma.local @!p0 [hbm:s0], s1  }
0x92: {  	s0 =	simm.s32 @!p0 $0x3  }
0x93: {  	_ =	swait.ge @!p0 [sflag:s0], s1  }
0x94: {  	s1 =	ssub.s32 @!p0 $0x0, s1;
	[sflag:s0] =	ssyncset.done @!p0 $0x0  }
0x95: {  	[sflag:s0] =	ssyncadd.s32 @!p0 s1  }
0x96: {  	[bflag:$0x3] =	sbarrier.arrive $0xFFFF  }
0x97: {  	_ =	shalt  }

</sc_bundles>
